<compile_context>
chip_gen: v7x
topology: tpu7x:2x2x1
jax: 0.10.2.dev20260603
libtpu: 0.0.44.dev20260713+nightly
codegen_flags: <defaults>
</compile_context>

<pallas_src>
import functools

import jax
import jax.numpy as jnp
from jax import lax
from jax.experimental import pallas as pl
from jax.experimental.pallas import tpu as pltpu
from jax.experimental.pallas import tpu_sc as plsc

_CHUNK = 128


@functools.lru_cache(maxsize=None)
def _make_gather(n_half, d):
    info = plsc.get_sparse_core_info()
    nc, ns = info.num_cores, info.num_subcores
    nw = nc * ns
    assert n_half % (nw * _CHUNK) == 0
    rows_per_w = n_half // nw
    chunks_per_w = rows_per_w // _CHUNK
    idx_rows = n_half // _CHUNK
    idx_rows_per_w = idx_rows // nw
    mesh = plsc.VectorSubcoreMesh(core_axis_name="c", subcore_axis_name="s")

    @functools.partial(
        pl.kernel,
        mesh=mesh,
        out_type=jax.ShapeDtypeStruct((n_half, 2 * d), jnp.float32),
        compiler_params=pltpu.CompilerParams(use_tc_tiling_on_sc=False),
        scratch_types=[
            pltpu.VMEM((2 * idx_rows_per_w, _CHUNK), jnp.int32),
            pltpu.VMEM((2, _CHUNK, d), jnp.float32),
            pltpu.VMEM((2, _CHUNK, d), jnp.float32),
            pltpu.SemaphoreType.DMA,
            pltpu.SemaphoreType.DMA,
        ],
    )
    def gather_kernel(table_hbm, idx2d_hbm, out_hbm, idx_v, gl, gr,
                      sem_g, sem_out):
        wid = lax.axis_index("s") * nc + lax.axis_index("c")
        base = wid * rows_per_w

        pltpu.sync_copy(
            idx2d_hbm.at[pl.ds(wid * idx_rows_per_w, idx_rows_per_w)],
            idx_v.at[pl.ds(0, idx_rows_per_w)])
        pltpu.sync_copy(
            idx2d_hbm.at[pl.ds(idx_rows + wid * idx_rows_per_w,
                               idx_rows_per_w)],
            idx_v.at[pl.ds(idx_rows_per_w, idx_rows_per_w)])

        def chunk_start(c, buf):
            cl = pltpu.async_copy(
                table_hbm.at[idx_v.at[c]], gl.at[buf], sem_g)
            cr = pltpu.async_copy(
                table_hbm.at[idx_v.at[idx_rows_per_w + c]], gr.at[buf], sem_g)
            return cl, cr

        def store_start(c, buf):
            r0 = base + c * _CHUNK
            pltpu.async_copy(
                gl.at[buf], out_hbm.at[pl.ds(r0, _CHUNK), pl.ds(0, d)],
                sem_out)
            pltpu.async_copy(
                gr.at[buf], out_hbm.at[pl.ds(r0, _CHUNK), pl.ds(d, d)],
                sem_out)

        def store_wait(buf):
            for _ in range(2):
                pltpu.make_async_copy(
                    gl.at[buf],
                    out_hbm.at[pl.ds(base, _CHUNK), pl.ds(0, d)],
                    sem_out).wait()

        def run_chunk(c, buf):
            cl, cr = chunk_start(c, buf)
            cl.wait()
            cr.wait()
            store_start(c, buf)

        run_chunk(0, 0)
        run_chunk(1, 1)

        def body(g, carry):
            c0 = 2 * g
            store_wait(0)
            run_chunk(c0, 0)
            store_wait(1)
            run_chunk(c0 + 1, 1)
            return carry

        lax.fori_loop(1, (chunks_per_w - 1) // 2, body, 0)
        store_wait(0)
        run_chunk(chunks_per_w - 1, 0)
        store_wait(1)
        store_wait(0)

    return gather_kernel


@functools.lru_cache(maxsize=None)
def _make_retile(b, m, k, d):
    kh = k // 2
    bb = b // 128

    def body(in_ref, out_ref):
        x = in_ref[...][:, 0]
        for q in range(kh):
            for ib in range(bb):
                t = jnp.transpose(x[ib * 128:(ib + 1) * 128, q, :])
                out_ref[0, :, q, :, ib * 128:(ib + 1) * 128] = (
                    t.reshape(2, d, 128))

    def retile(mid4d):
        return pl.pallas_call(
            body,
            grid=(m,),
            in_specs=[pl.BlockSpec(
                (b, 1, kh, 2 * d), lambda im: (0, im, 0, 0))],
            out_specs=pl.BlockSpec(
                (1, 2, kh, d, b), lambda im: (im, 0, 0, 0, 0)),
            out_shape=jax.ShapeDtypeStruct((m, 2, kh, d, b), jnp.float32),
        )(mid4d)

    return retile


def kernel(entity_cand_eid, table):
    b, m, k = entity_cand_eid.shape
    d = table.shape[1]
    kh = k // 2
    idxl = entity_cand_eid[:, :, :kh].reshape(-1, _CHUNK)
    idxr = entity_cand_eid[:, :, kh:].reshape(-1, _CHUNK)
    idx2d = jnp.concatenate([idxl, idxr])
    n_half = b * m * kh
    mid = _make_gather(n_half, d)(table, idx2d)
    mid4d = mid.reshape(b, m, kh, 2 * d)
    out_t = _make_retile(b, m, k, d)(mid4d)
    out_t = out_t.reshape(m, k, d, b)
    return jnp.transpose(out_t, (3, 0, 1, 2))

# --- scband reference (transcript-rebuilt; emitter-appended) ---
"""Pipeline reference for scband-entity-embedding-81578608820664 (READ-ONLY COPY).

The authoritative reference and input builder live on the scoring server;
editing this copy changes nothing except your own understanding.
"""

import jax, jax.numpy as jnp
import numpy as np

VOCAB = 1000000
DIM = 64
B, M, K = 1024, 26, 20

def setup_inputs(seed: int = 0) -> dict:
    key = jax.random.key(seed)
    k1, k2 = jax.random.split(key)
    # Emulate np.load(entity_emb_file): a pretrained [VOCAB, DIM] float table.
    embs = jax.random.normal(k1, (VOCAB, DIM), dtype=jnp.float32)
    # Module appends one zero row (padding row at index VOCAB, i.e. padding_idx=-1).
    table = jnp.concatenate([embs, jnp.zeros((1, DIM), dtype=jnp.float32)], axis=0)
    entity_cand_eid = jax.random.randint(k2, (B, M, K), 0, VOCAB, dtype=jnp.int32)
    return {"entity_cand_eid": entity_cand_eid, "table": table}

def reference(entity_cand_eid, table):
    # B x M x K -> B x M x K x DIM embedding gather
    return jnp.take(table, entity_cand_eid, axis=0)

if __name__ == "__main__":
    import jax
    _d = setup_inputs()
    print(jax.jit(kernel)(*tuple(_d.values())))

</pallas_src>

<mosaic_0001>
#map = affine_map<(d0, d1) -> (0, 0)>
module attributes {stable_mosaic.version = 14 : i64} {
  func.func @gather_kernel(%arg0: i32, %arg1: i32, %arg2: memref<1000001x64xf32, #tpu.memory_space<hbm>>, %arg3: memref<4160x128xi32, #tpu.memory_space<hbm>>, %arg4: memref<266240x128xf32, #tpu.memory_space<hbm>>, %arg5: memref<130x128xi32, #tpu.memory_space<vmem>>, %arg6: memref<2x128x64xf32, #tpu.memory_space<vmem>>, %arg7: memref<2x128x64xf32, #tpu.memory_space<vmem>>, %arg8: memref<!tpu.dma_semaphore, #tpu.memory_space<semaphore_mem>>, %arg9: memref<!tpu.dma_semaphore, #tpu.memory_space<semaphore_mem>>) attributes {dimension_semantics = [#tpu.dimension_semantics<core_parallel>, #tpu.dimension_semantics<subcore_parallel>], iteration_bounds = array<i64: 2, 16>, scalar_prefetch = 0 : i64, scratch_operands = 5 : i64, tpu.core_type = #tpu.core_type<sc_vector_subcore>, window_params = [{transform_indices = #map}, {transform_indices = #map}, {transform_indices = #map}]} {
    %mul3A = arith.constant 2 : i32
    %mul3A_0 = arith.muli %arg1, %mul3A : i32
    %add3A = arith.addi %mul3A_0, %arg0 : i32
    %mul3A_1 = arith.constant 8320 : i32
    %mul3A_2 = arith.muli %add3A, %mul3A_1 : i32
    %mul3A_3 = arith.constant 65 : i32
    %mul3A_4 = arith.muli %add3A, %mul3A_3 : i32
    "tpu.region"() ({
      %run_scoped3A = tpu.sem_alloc : memref<!tpu.dma_semaphore, #tpu.memory_space<semaphore_mem>>
      %dma_start3A_318 = arith.constant 0 : i32
      %dma_start3A_319 = arith.constant 0 : i32
      %dma_start3A_320 = tpu.memref_slice %arg5[%dma_start3A_318, %dma_start3A_319] : memref<130x128xi32, #tpu.memory_space<vmem>> -> memref<65x128xi32, #tpu.memory_space<vmem>>
      %dma_start3A_321 = arith.constant 0 : i32
      %dma_start3A_322 = tpu.memref_slice %arg3[%mul3A_4, %dma_start3A_321] : memref<4160x128xi32, #tpu.memory_space<hbm>> -> memref<65x128xi32, #tpu.memory_space<hbm>>
      %dma_start3A_323 = arith.constant 0 : i32
      %dma_start3A_324 = arith.constant 0 : i32
      %dma_start3A_325 = tpu.memref_slice %arg5[%dma_start3A_323, %dma_start3A_324] : memref<130x128xi32, #tpu.memory_space<vmem>> -> memref<65x128xi32, #tpu.memory_space<vmem>>
      %dma_start3A_326 = arith.constant 0 : i32
      %dma_start3A_327 = tpu.memref_slice %arg3[%mul3A_4, %dma_start3A_326] : memref<4160x128xi32, #tpu.memory_space<hbm>> -> memref<65x128xi32, #tpu.memory_space<hbm>>
      tpu.enqueue_dma source(%dma_start3A_327 : memref<65x128xi32, #tpu.memory_space<hbm>>) target(%dma_start3A_325 : memref<65x128xi32, #tpu.memory_space<vmem>>) target_semaphore(%run_scoped3A : memref<!tpu.dma_semaphore, #tpu.memory_space<semaphore_mem>>)
      %dma_wait3A_328 = arith.constant 0 : i32
      %dma_wait3A_329 = arith.constant 0 : i32
      %dma_wait3A_330 = tpu.memref_slice %arg5[%dma_wait3A_328, %dma_wait3A_329] : memref<130x128xi32, #tpu.memory_space<vmem>> -> memref<65x128xi32, #tpu.memory_space<vmem>>
      %dma_wait3A_331 = arith.constant 0 : i32
      %dma_wait3A_332 = tpu.memref_slice %arg3[%mul3A_4, %dma_wait3A_331] : memref<4160x128xi32, #tpu.memory_space<hbm>> -> memref<65x128xi32, #tpu.memory_space<hbm>>
      %dma_wait3A_333 = arith.constant 0 : i32
      %dma_wait3A_334 = arith.constant 0 : i32
      %dma_wait3A_335 = tpu.memref_slice %arg5[%dma_wait3A_333, %dma_wait3A_334] : memref<130x128xi32, #tpu.memory_space<vmem>> -> memref<65x128xi32, #tpu.memory_space<vmem>>
      %dma_wait3A_336 = arith.constant 0 : i32
      %dma_wait3A_337 = tpu.memref_slice %arg3[%mul3A_4, %dma_wait3A_336] : memref<4160x128xi32, #tpu.memory_space<hbm>> -> memref<65x128xi32, #tpu.memory_space<hbm>>
      tpu.wait_dma2 semaphore(%run_scoped3A : memref<!tpu.dma_semaphore, #tpu.memory_space<semaphore_mem>>) src(%dma_wait3A_337 : memref<65x128xi32, #tpu.memory_space<hbm>>) dst(%dma_wait3A_335 : memref<65x128xi32, #tpu.memory_space<vmem>>)
      tpu.yield
    }) : () -> ()
    %mul3A_5 = arith.constant 65 : i32
    %mul3A_6 = arith.muli %add3A, %mul3A_5 : i32
    %add3A_7 = arith.constant 2080 : i32
    %add3A_8 = arith.addi %add3A_7, %mul3A_6 : i32
    "tpu.region"() ({
      %run_scoped3A = tpu.sem_alloc : memref<!tpu.dma_semaphore, #tpu.memory_space<semaphore_mem>>
      %dma_start3A_318 = arith.constant 65 : i32
      %dma_start3A_319 = arith.constant 0 : i32
      %dma_start3A_320 = tpu.memref_slice %arg5[%dma_start3A_318, %dma_start3A_319] : memref<130x128xi32, #tpu.memory_space<vmem>> -> memref<65x128xi32, #tpu.memory_space<vmem>>
      %dma_start3A_321 = arith.constant 0 : i32
      %dma_start3A_322 = tpu.memref_slice %arg3[%add3A_8, %dma_start3A_321] : memref<4160x128xi32, #tpu.memory_space<hbm>> -> memref<65x128xi32, #tpu.memory_space<hbm>>
      %dma_start3A_323 = arith.constant 65 : i32
      %dma_start3A_324 = arith.constant 0 : i32
      %dma_start3A_325 = tpu.memref_slice %arg5[%dma_start3A_323, %dma_start3A_324] : memref<130x128xi32, #tpu.memory_space<vmem>> -> memref<65x128xi32, #tpu.memory_space<vmem>>
      %dma_start3A_326 = arith.constant 0 : i32
      %dma_start3A_327 = tpu.memref_slice %arg3[%add3A_8, %dma_start3A_326] : memref<4160x128xi32, #tpu.memory_space<hbm>> -> memref<65x128xi32, #tpu.memory_space<hbm>>
      tpu.enqueue_dma source(%dma_start3A_327 : memref<65x128xi32, #tpu.memory_space<hbm>>) target(%dma_start3A_325 : memref<65x128xi32, #tpu.memory_space<vmem>>) target_semaphore(%run_scoped3A : memref<!tpu.dma_semaphore, #tpu.memory_space<semaphore_mem>>)
      %dma_wait3A_328 = arith.constant 65 : i32
      %dma_wait3A_329 = arith.constant 0 : i32
      %dma_wait3A_330 = tpu.memref_slice %arg5[%dma_wait3A_328, %dma_wait3A_329] : memref<130x128xi32, #tpu.memory_space<vmem>> -> memref<65x128xi32, #tpu.memory_space<vmem>>
      %dma_wait3A_331 = arith.constant 0 : i32
      %dma_wait3A_332 = tpu.memref_slice %arg3[%add3A_8, %dma_wait3A_331] : memref<4160x128xi32, #tpu.memory_space<hbm>> -> memref<65x128xi32, #tpu.memory_space<hbm>>
      %dma_wait3A_333 = arith.constant 65 : i32
      %dma_wait3A_334 = arith.constant 0 : i32
      %dma_wait3A_335 = tpu.memref_slice %arg5[%dma_wait3A_333, %dma_wait3A_334] : memref<130x128xi32, #tpu.memory_space<vmem>> -> memref<65x128xi32, #tpu.memory_space<vmem>>
      %dma_wait3A_336 = arith.constant 0 : i32
      %dma_wait3A_337 = tpu.memref_slice %arg3[%add3A_8, %dma_wait3A_336] : memref<4160x128xi32, #tpu.memory_space<hbm>> -> memref<65x128xi32, #tpu.memory_space<hbm>>
      tpu.wait_dma2 semaphore(%run_scoped3A : memref<!tpu.dma_semaphore, #tpu.memory_space<semaphore_mem>>) src(%dma_wait3A_337 : memref<65x128xi32, #tpu.memory_space<hbm>>) dst(%dma_wait3A_335 : memref<65x128xi32, #tpu.memory_space<vmem>>)
      tpu.yield
    }) : () -> ()
    %dma_start3A = arith.constant 0 : i32
    %dma_start3A_9 = arith.constant 0 : i32
    %dma_start3A_10 = arith.constant 0 : i32
    %dma_start3A_11 = arith.constant 0 : i32
    %dma_start3A_12 = tpu.memref_slice %arg6[%dma_start3A_9, %dma_start3A_10, %dma_start3A_11] : memref<2x128x64xf32, #tpu.memory_space<vmem>> -> memref<1x128x64xf32, #tpu.memory_space<vmem>>
    %dma_start3A_13 = tpu.memref_squeeze %dma_start3A_12 : memref<1x128x64xf32, #tpu.memory_space<vmem>> -> memref<128x64xf32, #tpu.memory_space<vmem>>
    %dma_start3A_14 = arith.constant 0 : i32
    %dma_start3A_15 = tpu.memref_slice %arg5[%dma_start3A, %dma_start3A_14] : memref<130x128xi32, #tpu.memory_space<vmem>> -> memref<1x128xi32, #tpu.memory_space<vmem>>
    %dma_start3A_16 = tpu.memref_squeeze %dma_start3A_15 : memref<1x128xi32, #tpu.memory_space<vmem>> -> memref<128xi32, #tpu.memory_space<vmem>>
    %dma_start3A_17 = arith.constant 0 : i32
    %dma_start3A_18 = arith.constant 0 : i32
    %dma_start3A_19 = tpu.memref_slice %arg2[%dma_start3A_17, %dma_start3A_18] : memref<1000001x64xf32, #tpu.memory_space<hbm>> -> memref<1000001x64xf32, #tpu.memory_space<hbm>>
    tpu.enqueue_indirect_dma source(%dma_start3A_19 : memref<1000001x64xf32, #tpu.memory_space<hbm>>) target(%dma_start3A_13 : memref<128x64xf32, #tpu.memory_space<vmem>>) offsets(%dma_start3A_16 : memref<128xi32, #tpu.memory_space<vmem>>) semaphore(%arg8 : memref<!tpu.dma_semaphore, #tpu.memory_space<semaphore_mem>>)
    %dma_start3A_20 = arith.constant 65 : i32
    %dma_start3A_21 = arith.constant 0 : i32
    %dma_start3A_22 = arith.constant 0 : i32
    %dma_start3A_23 = arith.constant 0 : i32
    %dma_start3A_24 = tpu.memref_slice %arg7[%dma_start3A_21, %dma_start3A_22, %dma_start3A_23] : memref<2x128x64xf32, #tpu.memory_space<vmem>> -> memref<1x128x64xf32, #tpu.memory_space<vmem>>
    %dma_start3A_25 = tpu.memref_squeeze %dma_start3A_24 : memref<1x128x64xf32, #tpu.memory_space<vmem>> -> memref<128x64xf32, #tpu.memory_space<vmem>>
    %dma_start3A_26 = arith.constant 0 : i32
    %dma_start3A_27 = tpu.memref_slice %arg5[%dma_start3A_20, %dma_start3A_26] : memref<130x128xi32, #tpu.memory_space<vmem>> -> memref<1x128xi32, #tpu.memory_space<vmem>>
    %dma_start3A_28 = tpu.memref_squeeze %dma_start3A_27 : memref<1x128xi32, #tpu.memory_space<vmem>> -> memref<128xi32, #tpu.memory_space<vmem>>
    %dma_start3A_29 = arith.constant 0 : i32
    %dma_start3A_30 = arith.constant 0 : i32
    %dma_start3A_31 = tpu.memref_slice %arg2[%dma_start3A_29, %dma_start3A_30] : memref<1000001x64xf32, #tpu.memory_space<hbm>> -> memref<1000001x64xf32, #tpu.memory_space<hbm>>
    tpu.enqueue_indirect_dma source(%dma_start3A_31 : memref<1000001x64xf32, #tpu.memory_space<hbm>>) target(%dma_start3A_25 : memref<128x64xf32, #tpu.memory_space<vmem>>) offsets(%dma_start3A_28 : memref<128xi32, #tpu.memory_space<vmem>>) semaphore(%arg8 : memref<!tpu.dma_semaphore, #tpu.memory_space<semaphore_mem>>)
    %dma_wait3A = arith.constant 0 : i32
    %dma_wait3A_32 = arith.constant 0 : i32
    %dma_wait3A_33 = arith.constant 0 : i32
    %dma_wait3A_34 = arith.constant 0 : i32
    %dma_wait3A_35 = tpu.memref_slice %arg6[%dma_wait3A_32, %dma_wait3A_33, %dma_wait3A_34] : memref<2x128x64xf32, #tpu.memory_space<vmem>> -> memref<1x128x64xf32, #tpu.memory_space<vmem>>
    %dma_wait3A_36 = tpu.memref_squeeze %dma_wait3A_35 : memref<1x128x64xf32, #tpu.memory_space<vmem>> -> memref<128x64xf32, #tpu.memory_space<vmem>>
    %dma_wait3A_37 = arith.constant 0 : i32
    %dma_wait3A_38 = tpu.memref_slice %arg5[%dma_wait3A, %dma_wait3A_37] : memref<130x128xi32, #tpu.memory_space<vmem>> -> memref<1x128xi32, #tpu.memory_space<vmem>>
    %dma_wait3A_39 = tpu.memref_squeeze %dma_wait3A_38 : memref<1x128xi32, #tpu.memory_space<vmem>> -> memref<128xi32, #tpu.memory_space<vmem>>
    %dma_wait3A_40 = arith.constant 0 : i32
    %dma_wait3A_41 = arith.constant 0 : i32
    %dma_wait3A_42 = tpu.memref_slice %arg2[%dma_wait3A_40, %dma_wait3A_41] : memref<1000001x64xf32, #tpu.memory_space<hbm>> -> memref<1000001x64xf32, #tpu.memory_space<hbm>>
    tpu.wait_indirect_dma semaphore(%arg8 : memref<!tpu.dma_semaphore, #tpu.memory_space<semaphore_mem>>) src(%dma_wait3A_42 : memref<1000001x64xf32, #tpu.memory_space<hbm>>) dst(%dma_wait3A_36 : memref<128x64xf32, #tpu.memory_space<vmem>>)
    %dma_wait3A_43 = arith.constant 65 : i32
    %dma_wait3A_44 = arith.constant 0 : i32
    %dma_wait3A_45 = arith.constant 0 : i32
    %dma_wait3A_46 = arith.constant 0 : i32
    %dma_wait3A_47 = tpu.memref_slice %arg7[%dma_wait3A_44, %dma_wait3A_45, %dma_wait3A_46] : memref<2x128x64xf32, #tpu.memory_space<vmem>> -> memref<1x128x64xf32, #tpu.memory_space<vmem>>
    %dma_wait3A_48 = tpu.memref_squeeze %dma_wait3A_47 : memref<1x128x64xf32, #tpu.memory_space<vmem>> -> memref<128x64xf32, #tpu.memory_space<vmem>>
    %dma_wait3A_49 = arith.constant 0 : i32
    %dma_wait3A_50 = tpu.memref_slice %arg5[%dma_wait3A_43, %dma_wait3A_49] : memref<130x128xi32, #tpu.memory_space<vmem>> -> memref<1x128xi32, #tpu.memory_space<vmem>>
    %dma_wait3A_51 = tpu.memref_squeeze %dma_wait3A_50 : memref<1x128xi32, #tpu.memory_space<vmem>> -> memref<128xi32, #tpu.memory_space<vmem>>
    %dma_wait3A_52 = arith.constant 0 : i32
    %dma_wait3A_53 = arith.constant 0 : i32
    %dma_wait3A_54 = tpu.memref_slice %arg2[%dma_wait3A_52, %dma_wait3A_53] : memref<1000001x64xf32, #tpu.memory_space<hbm>> -> memref<1000001x64xf32, #tpu.memory_space<hbm>>
    tpu.wait_indirect_dma semaphore(%arg8 : memref<!tpu.dma_semaphore, #tpu.memory_space<semaphore_mem>>) src(%dma_wait3A_54 : memref<1000001x64xf32, #tpu.memory_space<hbm>>) dst(%dma_wait3A_48 : memref<128x64xf32, #tpu.memory_space<vmem>>)
    %add3A_55 = arith.constant 0 : i32
    %add3A_56 = arith.addi %mul3A_2, %add3A_55 : i32
    %dma_start3A_57 = arith.constant 0 : i32
    %dma_start3A_58 = arith.constant 0 : i32
    %dma_start3A_59 = arith.constant 0 : i32
    %dma_start3A_60 = tpu.memref_slice %arg6[%dma_start3A_57, %dma_start3A_58, %dma_start3A_59] : memref<2x128x64xf32, #tpu.memory_space<vmem>> -> memref<1x128x64xf32, #tpu.memory_space<vmem>>
    %dma_start3A_61 = tpu.memref_squeeze %dma_start3A_60 : memref<1x128x64xf32, #tpu.memory_space<vmem>> -> memref<128x64xf32, #tpu.memory_space<vmem>>
    %dma_start3A_62 = arith.constant 0 : i32
    %dma_start3A_63 = tpu.memref_slice %arg4[%add3A_56, %dma_start3A_62] : memref<266240x128xf32, #tpu.memory_space<hbm>> -> memref<128x64xf32, #tpu.memory_space<hbm>>
    %dma_start3A_64 = arith.constant 0 : i32
    %dma_start3A_65 = tpu.memref_slice %arg4[%add3A_56, %dma_start3A_64] : memref<266240x128xf32, #tpu.memory_space<hbm>> -> memref<128x64xf32, #tpu.memory_space<hbm>>
    %dma_start3A_66 = arith.constant 0 : i32
    %dma_start3A_67 = arith.constant 0 : i32
    %dma_start3A_68 = tpu.memref_slice %arg6[%dma_start3A_57, %dma_start3A_66, %dma_start3A_67] : memref<2x128x64xf32, #tpu.memory_space<vmem>> -> memref<1x128x64xf32, #tpu.memory_space<vmem>>
    %dma_start3A_69 = tpu.memref_squeeze %dma_start3A_68 : memref<1x128x64xf32, #tpu.memory_space<vmem>> -> memref<128x64xf32, #tpu.memory_space<vmem>>
    tpu.enqueue_dma source(%dma_start3A_69 : memref<128x64xf32, #tpu.memory_space<vmem>>) target(%dma_start3A_65 : memref<128x64xf32, #tpu.memory_space<hbm>>) target_semaphore(%arg9 : memref<!tpu.dma_semaphore, #tpu.memory_space<semaphore_mem>>)
    %dma_start3A_70 = arith.constant 0 : i32
    %dma_start3A_71 = arith.constant 0 : i32
    %dma_start3A_72 = arith.constant 0 : i32
    %dma_start3A_73 = tpu.memref_slice %arg7[%dma_start3A_70, %dma_start3A_71, %dma_start3A_72] : memref<2x128x64xf32, #tpu.memory_space<vmem>> -> memref<1x128x64xf32, #tpu.memory_space<vmem>>
    %dma_start3A_74 = tpu.memref_squeeze %dma_start3A_73 : memref<1x128x64xf32, #tpu.memory_space<vmem>> -> memref<128x64xf32, #tpu.memory_space<vmem>>
    %dma_start3A_75 = arith.constant 64 : i32
    %dma_start3A_76 = tpu.memref_slice %arg4[%add3A_56, %dma_start3A_75] : memref<266240x128xf32, #tpu.memory_space<hbm>> -> memref<128x64xf32, #tpu.memory_space<hbm>>
    %dma_start3A_77 = arith.constant 64 : i32
    %dma_start3A_78 = tpu.memref_slice %arg4[%add3A_56, %dma_start3A_77] : memref<266240x128xf32, #tpu.memory_space<hbm>> -> memref<128x64xf32, #tpu.memory_space<hbm>>
    %dma_start3A_79 = arith.constant 0 : i32
    %dma_start3A_80 = arith.constant 0 : i32
    %dma_start3A_81 = tpu.memref_slice %arg7[%dma_start3A_70, %dma_start3A_79, %dma_start3A_80] : memref<2x128x64xf32, #tpu.memory_space<vmem>> -> memref<1x128x64xf32, #tpu.memory_space<vmem>>
    %dma_start3A_82 = tpu.memref_squeeze %dma_start3A_81 : memref<1x128x64xf32, #tpu.memory_space<vmem>> -> memref<128x64xf32, #tpu.memory_space<vmem>>
    tpu.enqueue_dma source(%dma_start3A_82 : memref<128x64xf32, #tpu.memory_space<vmem>>) target(%dma_start3A_78 : memref<128x64xf32, #tpu.memory_space<hbm>>) target_semaphore(%arg9 : memref<!tpu.dma_semaphore, #tpu.memory_space<semaphore_mem>>)
    %dma_start3A_83 = arith.constant 1 : i32
    %dma_start3A_84 = arith.constant 1 : i32
    %dma_start3A_85 = arith.constant 0 : i32
    %dma_start3A_86 = arith.constant 0 : i32
    %dma_start3A_87 = tpu.memref_slice %arg6[%dma_start3A_84, %dma_start3A_85, %dma_start3A_86] : memref<2x128x64xf32, #tpu.memory_space<vmem>> -> memref<1x128x64xf32, #tpu.memory_space<vmem>>
    %dma_start3A_88 = tpu.memref_squeeze %dma_start3A_87 : memref<1x128x64xf32, #tpu.memory_space<vmem>> -> memref<128x64xf32, #tpu.memory_space<vmem>>
    %dma_start3A_89 = arith.constant 0 : i32
    %dma_start3A_90 = tpu.memref_slice %arg5[%dma_start3A_83, %dma_start3A_89] : memref<130x128xi32, #tpu.memory_space<vmem>> -> memref<1x128xi32, #tpu.memory_space<vmem>>
    %dma_start3A_91 = tpu.memref_squeeze %dma_start3A_90 : memref<1x128xi32, #tpu.memory_space<vmem>> -> memref<128xi32, #tpu.memory_space<vmem>>
    %dma_start3A_92 = arith.constant 0 : i32
    %dma_start3A_93 = arith.constant 0 : i32
    %dma_start3A_94 = tpu.memref_slice %arg2[%dma_start3A_92, %dma_start3A_93] : memref<1000001x64xf32, #tpu.memory_space<hbm>> -> memref<1000001x64xf32, #tpu.memory_space<hbm>>
    tpu.enqueue_indirect_dma source(%dma_start3A_94 : memref<1000001x64xf32, #tpu.memory_space<hbm>>) target(%dma_start3A_88 : memref<128x64xf32, #tpu.memory_space<vmem>>) offsets(%dma_start3A_91 : memref<128xi32, #tpu.memory_space<vmem>>) semaphore(%arg8 : memref<!tpu.dma_semaphore, #tpu.memory_space<semaphore_mem>>)
    %dma_start3A_95 = arith.constant 66 : i32
    %dma_start3A_96 = arith.constant 1 : i32
    %dma_start3A_97 = arith.constant 0 : i32
    %dma_start3A_98 = arith.constant 0 : i32
    %dma_start3A_99 = tpu.memref_slice %arg7[%dma_start3A_96, %dma_start3A_97, %dma_start3A_98] : memref<2x128x64xf32, #tpu.memory_space<vmem>> -> memref<1x128x64xf32, #tpu.memory_space<vmem>>
    %dma_start3A_100 = tpu.memref_squeeze %dma_start3A_99 : memref<1x128x64xf32, #tpu.memory_space<vmem>> -> memref<128x64xf32, #tpu.memory_space<vmem>>
    %dma_start3A_101 = arith.constant 0 : i32
    %dma_start3A_102 = tpu.memref_slice %arg5[%dma_start3A_95, %dma_start3A_101] : memref<130x128xi32, #tpu.memory_space<vmem>> -> memref<1x128xi32, #tpu.memory_space<vmem>>
    %dma_start3A_103 = tpu.memref_squeeze %dma_start3A_102 : memref<1x128xi32, #tpu.memory_space<vmem>> -> memref<128xi32, #tpu.memory_space<vmem>>
    %dma_start3A_104 = arith.constant 0 : i32
    %dma_start3A_105 = arith.constant 0 : i32
    %dma_start3A_106 = tpu.memref_slice %arg2[%dma_start3A_104, %dma_start3A_105] : memref<1000001x64xf32, #tpu.memory_space<hbm>> -> memref<1000001x64xf32, #tpu.memory_space<hbm>>
    tpu.enqueue_indirect_dma source(%dma_start3A_106 : memref<1000001x64xf32, #tpu.memory_space<hbm>>) target(%dma_start3A_100 : memref<128x64xf32, #tpu.memory_space<vmem>>) offsets(%dma_start3A_103 : memref<128xi32, #tpu.memory_space<vmem>>) semaphore(%arg8 : memref<!tpu.dma_semaphore, #tpu.memory_space<semaphore_mem>>)
    %dma_wait3A_107 = arith.constant 1 : i32
    %dma_wait3A_108 = arith.constant 1 : i32
    %dma_wait3A_109 = arith.constant 0 : i32
    %dma_wait3A_110 = arith.constant 0 : i32
    %dma_wait3A_111 = tpu.memref_slice %arg6[%dma_wait3A_108, %dma_wait3A_109, %dma_wait3A_110] : memref<2x128x64xf32, #tpu.memory_space<vmem>> -> memref<1x128x64xf32, #tpu.memory_space<vmem>>
    %dma_wait3A_112 = tpu.memref_squeeze %dma_wait3A_111 : memref<1x128x64xf32, #tpu.memory_space<vmem>> -> memref<128x64xf32, #tpu.memory_space<vmem>>
    %dma_wait3A_113 = arith.constant 0 : i32
    %dma_wait3A_114 = tpu.memref_slice %arg5[%dma_wait3A_107, %dma_wait3A_113] : memref<130x128xi32, #tpu.memory_space<vmem>> -> memref<1x128xi32, #tpu.memory_space<vmem>>
    %dma_wait3A_115 = tpu.memref_squeeze %dma_wait3A_114 : memref<1x128xi32, #tpu.memory_space<vmem>> -> memref<128xi32, #tpu.memory_space<vmem>>
    %dma_wait3A_116 = arith.constant 0 : i32
    %dma_wait3A_117 = arith.constant 0 : i32
    %dma_wait3A_118 = tpu.memref_slice %arg2[%dma_wait3A_116, %dma_wait3A_117] : memref<1000001x64xf32, #tpu.memory_space<hbm>> -> memref<1000001x64xf32, #tpu.memory_space<hbm>>
    tpu.wait_indirect_dma semaphore(%arg8 : memref<!tpu.dma_semaphore, #tpu.memory_space<semaphore_mem>>) src(%dma_wait3A_118 : memref<1000001x64xf32, #tpu.memory_space<hbm>>) dst(%dma_wait3A_112 : memref<128x64xf32, #tpu.memory_space<vmem>>)
    %dma_wait3A_119 = arith.constant 66 : i32
    %dma_wait3A_120 = arith.constant 1 : i32
    %dma_wait3A_121 = arith.constant 0 : i32
    %dma_wait3A_122 = arith.constant 0 : i32
    %dma_wait3A_123 = tpu.memref_slice %arg7[%dma_wait3A_120, %dma_wait3A_121, %dma_wait3A_122] : memref<2x128x64xf32, #tpu.memory_space<vmem>> -> memref<1x128x64xf32, #tpu.memory_space<vmem>>
    %dma_wait3A_124 = tpu.memref_squeeze %dma_wait3A_123 : memref<1x128x64xf32, #tpu.memory_space<vmem>> -> memref<128x64xf32, #tpu.memory_space<vmem>>
    %dma_wait3A_125 = arith.constant 0 : i32
    %dma_wait3A_126 = tpu.memref_slice %arg5[%dma_wait3A_119, %dma_wait3A_125] : memref<130x128xi32, #tpu.memory_space<vmem>> -> memref<1x128xi32, #tpu.memory_space<vmem>>
    %dma_wait3A_127 = tpu.memref_squeeze %dma_wait3A_126 : memref<1x128xi32, #tpu.memory_space<vmem>> -> memref<128xi32, #tpu.memory_space<vmem>>
    %dma_wait3A_128 = arith.constant 0 : i32
    %dma_wait3A_129 = arith.constant 0 : i32
    %dma_wait3A_130 = tpu.memref_slice %arg2[%dma_wait3A_128, %dma_wait3A_129] : memref<1000001x64xf32, #tpu.memory_space<hbm>> -> memref<1000001x64xf32, #tpu.memory_space<hbm>>
    tpu.wait_indirect_dma semaphore(%arg8 : memref<!tpu.dma_semaphore, #tpu.memory_space<semaphore_mem>>) src(%dma_wait3A_130 : memref<1000001x64xf32, #tpu.memory_space<hbm>>) dst(%dma_wait3A_124 : memref<128x64xf32, #tpu.memory_space<vmem>>)
    %add3A_131 = arith.constant 128 : i32
    %add3A_132 = arith.addi %mul3A_2, %add3A_131 : i32
    %dma_start3A_133 = arith.constant 1 : i32
    %dma_start3A_134 = arith.constant 0 : i32
    %dma_start3A_135 = arith.constant 0 : i32
    %dma_start3A_136 = tpu.memref_slice %arg6[%dma_start3A_133, %dma_start3A_134, %dma_start3A_135] : memref<2x128x64xf32, #tpu.memory_space<vmem>> -> memref<1x128x64xf32, #tpu.memory_space<vmem>>
    %dma_start3A_137 = tpu.memref_squeeze %dma_start3A_136 : memref<1x128x64xf32, #tpu.memory_space<vmem>> -> memref<128x64xf32, #tpu.memory_space<vmem>>
    %dma_start3A_138 = arith.constant 0 : i32
    %dma_start3A_139 = tpu.memref_slice %arg4[%add3A_132, %dma_start3A_138] : memref<266240x128xf32, #tpu.memory_space<hbm>> -> memref<128x64xf32, #tpu.memory_space<hbm>>
    %dma_start3A_140 = arith.constant 0 : i32
    %dma_start3A_141 = tpu.memref_slice %arg4[%add3A_132, %dma_start3A_140] : memref<266240x128xf32, #tpu.memory_space<hbm>> -> memref<128x64xf32, #tpu.memory_space<hbm>>
    %dma_start3A_142 = arith.constant 0 : i32
    %dma_start3A_143 = arith.constant 0 : i32
    %dma_start3A_144 = tpu.memref_slice %arg6[%dma_start3A_133, %dma_start3A_142, %dma_start3A_143] : memref<2x128x64xf32, #tpu.memory_space<vmem>> -> memref<1x128x64xf32, #tpu.memory_space<vmem>>
    %dma_start3A_145 = tpu.memref_squeeze %dma_start3A_144 : memref<1x128x64xf32, #tpu.memory_space<vmem>> -> memref<128x64xf32, #tpu.memory_space<vmem>>
    tpu.enqueue_dma source(%dma_start3A_145 : memref<128x64xf32, #tpu.memory_space<vmem>>) target(%dma_start3A_141 : memref<128x64xf32, #tpu.memory_space<hbm>>) target_semaphore(%arg9 : memref<!tpu.dma_semaphore, #tpu.memory_space<semaphore_mem>>)
    %dma_start3A_146 = arith.constant 1 : i32
    %dma_start3A_147 = arith.constant 0 : i32
    %dma_start3A_148 = arith.constant 0 : i32
    %dma_start3A_149 = tpu.memref_slice %arg7[%dma_start3A_146, %dma_start3A_147, %dma_start3A_148] : memref<2x128x64xf32, #tpu.memory_space<vmem>> -> memref<1x128x64xf32, #tpu.memory_space<vmem>>
    %dma_start3A_150 = tpu.memref_squeeze %dma_start3A_149 : memref<1x128x64xf32, #tpu.memory_space<vmem>> -> memref<128x64xf32, #tpu.memory_space<vmem>>
    %dma_start3A_151 = arith.constant 64 : i32
    %dma_start3A_152 = tpu.memref_slice %arg4[%add3A_132, %dma_start3A_151] : memref<266240x128xf32, #tpu.memory_space<hbm>> -> memref<128x64xf32, #tpu.memory_space<hbm>>
    %dma_start3A_153 = arith.constant 64 : i32
    %dma_start3A_154 = tpu.memref_slice %arg4[%add3A_132, %dma_start3A_153] : memref<266240x128xf32, #tpu.memory_space<hbm>> -> memref<128x64xf32, #tpu.memory_space<hbm>>
    %dma_start3A_155 = arith.constant 0 : i32
    %dma_start3A_156 = arith.constant 0 : i32
    %dma_start3A_157 = tpu.memref_slice %arg7[%dma_start3A_146, %dma_start3A_155, %dma_start3A_156] : memref<2x128x64xf32, #tpu.memory_space<vmem>> -> memref<1x128x64xf32, #tpu.memory_space<vmem>>
    %dma_start3A_158 = tpu.memref_squeeze %dma_start3A_157 : memref<1x128x64xf32, #tpu.memory_space<vmem>> -> memref<128x64xf32, #tpu.memory_space<vmem>>
    tpu.enqueue_dma source(%dma_start3A_158 : memref<128x64xf32, #tpu.memory_space<vmem>>) target(%dma_start3A_154 : memref<128x64xf32, #tpu.memory_space<hbm>>) target_semaphore(%arg9 : memref<!tpu.dma_semaphore, #tpu.memory_space<semaphore_mem>>)
    %scan3A = arith.constant 0 : i32
    %scan3A_159 = arith.constant 1 : i32
    %scan3A_160 = arith.constant 31 : i32
    %scan3A_161 = arith.addi %scan3A_159, %scan3A_160 : i32
    %scan3A_162 = arith.constant 1 : i32
    scf.for %scan3A_318 = %scan3A_159 to %scan3A_161 step %scan3A_162  : i32 {
      %mul3A_319 = arith.constant 2 : i32
      %mul3A_320 = arith.muli %mul3A_319, %scan3A_318 : i32
      %dma_wait3A_321 = arith.constant 0 : i32
      %dma_wait3A_322 = arith.constant 0 : i32
      %dma_wait3A_323 = arith.constant 0 : i32
      %dma_wait3A_324 = tpu.memref_slice %arg6[%dma_wait3A_321, %dma_wait3A_322, %dma_wait3A_323] : memref<2x128x64xf32, #tpu.memory_space<vmem>> -> memref<1x128x64xf32, #tpu.memory_space<vmem>>
      %dma_wait3A_325 = tpu.memref_squeeze %dma_wait3A_324 : memref<1x128x64xf32, #tpu.memory_space<vmem>> -> memref<128x64xf32, #tpu.memory_space<vmem>>
      %dma_wait3A_326 = arith.constant 0 : i32
      %dma_wait3A_327 = tpu.memref_slice %arg4[%mul3A_2, %dma_wait3A_326] : memref<266240x128xf32, #tpu.memory_space<hbm>> -> memref<128x64xf32, #tpu.memory_space<hbm>>
      %dma_wait3A_328 = arith.constant 0 : i32
      %dma_wait3A_329 = tpu.memref_slice %arg4[%mul3A_2, %dma_wait3A_328] : memref<266240x128xf32, #tpu.memory_space<hbm>> -> memref<128x64xf32, #tpu.memory_space<hbm>>
      %dma_wait3A_330 = arith.constant 0 : i32
      %dma_wait3A_331 = arith.constant 0 : i32
      %dma_wait3A_332 = tpu.memref_slice %arg6[%dma_wait3A_321, %dma_wait3A_330, %dma_wait3A_331] : memref<2x128x64xf32, #tpu.memory_space<vmem>> -> memref<1x128x64xf32, #tpu.memory_space<vmem>>
      %dma_wait3A_333 = tpu.memref_squeeze %dma_wait3A_332 : memref<1x128x64xf32, #tpu.memory_space<vmem>> -> memref<128x64xf32, #tpu.memory_space<vmem>>
      tpu.wait_dma2 semaphore(%arg9 : memref<!tpu.dma_semaphore, #tpu.memory_space<semaphore_mem>>) src(%dma_wait3A_333 : memref<128x64xf32, #tpu.memory_space<vmem>>) dst(%dma_wait3A_329 : memref<128x64xf32, #tpu.memory_space<hbm>>)
      %dma_wait3A_334 = arith.constant 0 : i32
      %dma_wait3A_335 = arith.constant 0 : i32
      %dma_wait3A_336 = arith.constant 0 : i32
      %dma_wait3A_337 = tpu.memref_slice %arg6[%dma_wait3A_334, %dma_wait3A_335, %dma_wait3A_336] : memref<2x128x64xf32, #tpu.memory_space<vmem>> -> memref<1x128x64xf32, #tpu.memory_space<vmem>>
      %dma_wait3A_338 = tpu.memref_squeeze %dma_wait3A_337 : memref<1x128x64xf32, #tpu.memory_space<vmem>> -> memref<128x64xf32, #tpu.memory_space<vmem>>
      %dma_wait3A_339 = arith.constant 0 : i32
      %dma_wait3A_340 = tpu.memref_slice %arg4[%mul3A_2, %dma_wait3A_339] : memref<266240x128xf32, #tpu.memory_space<hbm>> -> memref<128x64xf32, #tpu.memory_space<hbm>>
      %dma_wait3A_341 = arith.constant 0 : i32
      %dma_wait3A_342 = tpu.memref_slice %arg4[%mul3A_2, %dma_wait3A_341] : memref<266240x128xf32, #tpu.memory_space<hbm>> -> memref<128x64xf32, #tpu.memory_space<hbm>>
      %dma_wait3A_343 = arith.constant 0 : i32
      %dma_wait3A_344 = arith.constant 0 : i32
      %dma_wait3A_345 = tpu.memref_slice %arg6[%dma_wait3A_334, %dma_wait3A_343, %dma_wait3A_344] : memref<2x128x64xf32, #tpu.memory_space<vmem>> -> memref<1x128x64xf32, #tpu.memory_space<vmem>>
      %dma_wait3A_346 = tpu.memref_squeeze %dma_wait3A_345 : memref<1x128x64xf32, #tpu.memory_space<vmem>> -> memref<128x64xf32, #tpu.memory_space<vmem>>
      tpu.wait_dma2 semaphore(%arg9 : memref<!tpu.dma_semaphore, #tpu.memory_space<semaphore_mem>>) src(%dma_wait3A_346 : memref<128x64xf32, #tpu.memory_space<vmem>>) dst(%dma_wait3A_342 : memref<128x64xf32, #tpu.memory_space<hbm>>)
      %dma_start3A_347 = arith.constant 0 : i32
      %dma_start3A_348 = arith.constant 0 : i32
      %dma_start3A_349 = arith.constant 0 : i32
      %dma_start3A_350 = tpu.memref_slice %arg6[%dma_start3A_347, %dma_start3A_348, %dma_start3A_349] : memref<2x128x64xf32, #tpu.memory_space<vmem>> -> memref<1x128x64xf32, #tpu.memory_space<vmem>>
      %dma_start3A_351 = tpu.memref_squeeze %dma_start3A_350 : memref<1x128x64xf32, #tpu.memory_space<vmem>> -> memref<128x64xf32, #tpu.memory_space<vmem>>
      %dma_start3A_352 = arith.constant 0 : i32
      %dma_start3A_353 = tpu.memref_slice %arg5[%mul3A_320, %dma_start3A_352] : memref<130x128xi32, #tpu.memory_space<vmem>> -> memref<1x128xi32, #tpu.memory_space<vmem>>
      %dma_start3A_354 = tpu.memref_squeeze %dma_start3A_353 : memref<1x128xi32, #tpu.memory_space<vmem>> -> memref<128xi32, #tpu.memory_space<vmem>>
      %dma_start3A_355 = arith.constant 0 : i32
      %dma_start3A_356 = arith.constant 0 : i32
      %dma_start3A_357 = tpu.memref_slice %arg2[%dma_start3A_355, %dma_start3A_356] : memref<1000001x64xf32, #tpu.memory_space<hbm>> -> memref<1000001x64xf32, #tpu.memory_space<hbm>>
      tpu.enqueue_indirect_dma source(%dma_start3A_357 : memref<1000001x64xf32, #tpu.memory_space<hbm>>) target(%dma_start3A_351 : memref<128x64xf32, #tpu.memory_space<vmem>>) offsets(%dma_start3A_354 : memref<128xi32, #tpu.memory_space<vmem>>) semaphore(%arg8 : memref<!tpu.dma_semaphore, #tpu.memory_space<semaphore_mem>>)
      %add3A_358 = arith.constant 65 : i32
      %add3A_359 = arith.addi %add3A_358, %mul3A_320 : i32
      %dma_start3A_360 = arith.constant 0 : i32
      %dma_start3A_361 = arith.constant 0 : i32
      %dma_start3A_362 = arith.constant 0 : i32
      %dma_start3A_363 = tpu.memref_slice %arg7[%dma_start3A_360, %dma_start3A_361, %dma_start3A_362] : memref<2x128x64xf32, #tpu.memory_space<vmem>> -> memref<1x128x64xf32, #tpu.memory_space<vmem>>
      %dma_start3A_364 = tpu.memref_squeeze %dma_start3A_363 : memref<1x128x64xf32, #tpu.memory_space<vmem>> -> memref<128x64xf32, #tpu.memory_space<vmem>>
      %dma_start3A_365 = arith.constant 0 : i32
      %dma_start3A_366 = tpu.memref_slice %arg5[%add3A_359, %dma_start3A_365] : memref<130x128xi32, #tpu.memory_space<vmem>> -> memref<1x128xi32, #tpu.memory_space<vmem>>
      %dma_start3A_367 = tpu.memref_squeeze %dma_start3A_366 : memref<1x128xi32, #tpu.memory_space<vmem>> -> memref<128xi32, #tpu.memory_space<vmem>>
      %dma_start3A_368 = arith.constant 0 : i32
      %dma_start3A_369 = arith.constant 0 : i32
      %dma_start3A_370 = tpu.memref_slice %arg2[%dma_start3A_368, %dma_start3A_369] : memref<1000001x64xf32, #tpu.memory_space<hbm>> -> memref<1000001x64xf32, #tpu.memory_space<hbm>>
      tpu.enqueue_indirect_dma source(%dma_start3A_370 : memref<1000001x64xf32, #tpu.memory_space<hbm>>) target(%dma_start3A_364 : memref<128x64xf32, #tpu.memory_space<vmem>>) offsets(%dma_start3A_367 : memref<128xi32, #tpu.memory_space<vmem>>) semaphore(%arg8 : memref<!tpu.dma_semaphore, #tpu.memory_space<semaphore_mem>>)
      %dma_wait3A_371 = arith.constant 0 : i32
      %dma_wait3A_372 = arith.constant 0 : i32
      %dma_wait3A_373 = arith.constant 0 : i32
      %dma_wait3A_374 = tpu.memref_slice %arg6[%dma_wait3A_371, %dma_wait3A_372, %dma_wait3A_373] : memref<2x128x64xf32, #tpu.memory_space<vmem>> -> memref<1x128x64xf32, #tpu.memory_space<vmem>>
      %dma_wait3A_375 = tpu.memref_squeeze %dma_wait3A_374 : memref<1x128x64xf32, #tpu.memory_space<vmem>> -> memref<128x64xf32, #tpu.memory_space<vmem>>
      %dma_wait3A_376 = arith.constant 0 : i32
      %dma_wait3A_377 = tpu.memref_slice %arg5[%mul3A_320, %dma_wait3A_376] : memref<130x128xi32, #tpu.memory_space<vmem>> -> memref<1x128xi32, #tpu.memory_space<vmem>>
      %dma_wait3A_378 = tpu.memref_squeeze %dma_wait3A_377 : memref<1x128xi32, #tpu.memory_space<vmem>> -> memref<128xi32, #tpu.memory_space<vmem>>
      %dma_wait3A_379 = arith.constant 0 : i32
      %dma_wait3A_380 = arith.constant 0 : i32
      %dma_wait3A_381 = tpu.memref_slice %arg2[%dma_wait3A_379, %dma_wait3A_380] : memref<1000001x64xf32, #tpu.memory_space<hbm>> -> memref<1000001x64xf32, #tpu.memory_space<hbm>>
      tpu.wait_indirect_dma semaphore(%arg8 : memref<!tpu.dma_semaphore, #tpu.memory_space<semaphore_mem>>) src(%dma_wait3A_381 : memref<1000001x64xf32, #tpu.memory_space<hbm>>) dst(%dma_wait3A_375 : memref<128x64xf32, #tpu.memory_space<vmem>>)
      %dma_wait3A_382 = arith.constant 0 : i32
      %dma_wait3A_383 = arith.constant 0 : i32
      %dma_wait3A_384 = arith.constant 0 : i32
      %dma_wait3A_385 = tpu.memref_slice %arg7[%dma_wait3A_382, %dma_wait3A_383, %dma_wait3A_384] : memref<2x128x64xf32, #tpu.memory_space<vmem>> -> memref<1x128x64xf32, #tpu.memory_space<vmem>>
      %dma_wait3A_386 = tpu.memref_squeeze %dma_wait3A_385 : memref<1x128x64xf32, #tpu.memory_space<vmem>> -> memref<128x64xf32, #tpu.memory_space<vmem>>
      %dma_wait3A_387 = arith.constant 0 : i32
      %dma_wait3A_388 = tpu.memref_slice %arg5[%add3A_359, %dma_wait3A_387] : memref<130x128xi32, #tpu.memory_space<vmem>> -> memref<1x128xi32, #tpu.memory_space<vmem>>
      %dma_wait3A_389 = tpu.memref_squeeze %dma_wait3A_388 : memref<1x128xi32, #tpu.memory_space<vmem>> -> memref<128xi32, #tpu.memory_space<vmem>>
      %dma_wait3A_390 = arith.constant 0 : i32
      %dma_wait3A_391 = arith.constant 0 : i32
      %dma_wait3A_392 = tpu.memref_slice %arg2[%dma_wait3A_390, %dma_wait3A_391] : memref<1000001x64xf32, #tpu.memory_space<hbm>> -> memref<1000001x64xf32, #tpu.memory_space<hbm>>
      tpu.wait_indirect_dma semaphore(%arg8 : memref<!tpu.dma_semaphore, #tpu.memory_space<semaphore_mem>>) src(%dma_wait3A_392 : memref<1000001x64xf32, #tpu.memory_space<hbm>>) dst(%dma_wait3A_386 : memref<128x64xf32, #tpu.memory_space<vmem>>)
      %mul3A_393 = arith.constant 128 : i32
      %mul3A_394 = arith.muli %mul3A_320, %mul3A_393 : i32
      %add3A_395 = arith.addi %mul3A_2, %mul3A_394 : i32
      %dma_start3A_396 = arith.constant 0 : i32
      %dma_start3A_397 = arith.constant 0 : i32
      %dma_start3A_398 = arith.constant 0 : i32
      %dma_start3A_399 = tpu.memref_slice %arg6[%dma_start3A_396, %dma_start3A_397, %dma_start3A_398] : memref<2x128x64xf32, #tpu.memory_space<vmem>> -> memref<1x128x64xf32, #tpu.memory_space<vmem>>
      %dma_start3A_400 = tpu.memref_squeeze %dma_start3A_399 : memref<1x128x64xf32, #tpu.memory_space<vmem>> -> memref<128x64xf32, #tpu.memory_space<vmem>>
      %dma_start3A_401 = arith.constant 0 : i32
      %dma_start3A_402 = tpu.memref_slice %arg4[%add3A_395, %dma_start3A_401] : memref<266240x128xf32, #tpu.memory_space<hbm>> -> memref<128x64xf32, #tpu.memory_space<hbm>>
      %dma_start3A_403 = arith.constant 0 : i32
      %dma_start3A_404 = tpu.memref_slice %arg4[%add3A_395, %dma_start3A_403] : memref<266240x128xf32, #tpu.memory_space<hbm>> -> memref<128x64xf32, #tpu.memory_space<hbm>>
      %dma_start3A_405 = arith.constant 0 : i32
      %dma_start3A_406 = arith.constant 0 : i32
      %dma_start3A_407 = tpu.memref_slice %arg6[%dma_start3A_396, %dma_start3A_405, %dma_start3A_406] : memref<2x128x64xf32, #tpu.memory_space<vmem>> -> memref<1x128x64xf32, #tpu.memory_space<vmem>>
      %dma_start3A_408 = tpu.memref_squeeze %dma_start3A_407 : memref<1x128x64xf32, #tpu.memory_space<vmem>> -> memref<128x64xf32, #tpu.memory_space<vmem>>
      tpu.enqueue_dma source(%dma_start3A_408 : memref<128x64xf32, #tpu.memory_space<vmem>>) target(%dma_start3A_404 : memref<128x64xf32, #tpu.memory_space<hbm>>) target_semaphore(%arg9 : memref<!tpu.dma_semaphore, #tpu.memory_space<semaphore_mem>>)
      %dma_start3A_409 = arith.constant 0 : i32
      %dma_start3A_410 = arith.constant 0 : i32
      %dma_start3A_411 = arith.constant 0 : i32
      %dma_start3A_412 = tpu.memref_slice %arg7[%dma_start3A_409, %dma_start3A_410, %dma_start3A_411] : memref<2x128x64xf32, #tpu.memory_space<vmem>> -> memref<1x128x64xf32, #tpu.memory_space<vmem>>
      %dma_start3A_413 = tpu.memref_squeeze %dma_start3A_412 : memref<1x128x64xf32, #tpu.memory_space<vmem>> -> memref<128x64xf32, #tpu.memory_space<vmem>>
      %dma_start3A_414 = arith.constant 64 : i32
      %dma_start3A_415 = tpu.memref_slice %arg4[%add3A_395, %dma_start3A_414] : memref<266240x128xf32, #tpu.memory_space<hbm>> -> memref<128x64xf32, #tpu.memory_space<hbm>>
      %dma_start3A_416 = arith.constant 64 : i32
      %dma_start3A_417 = tpu.memref_slice %arg4[%add3A_395, %dma_start3A_416] : memref<266240x128xf32, #tpu.memory_space<hbm>> -> memref<128x64xf32, #tpu.memory_space<hbm>>
      %dma_start3A_418 = arith.constant 0 : i32
      %dma_start3A_419 = arith.constant 0 : i32
      %dma_start3A_420 = tpu.memref_slice %arg7[%dma_start3A_409, %dma_start3A_418, %dma_start3A_419] : memref<2x128x64xf32, #tpu.memory_space<vmem>> -> memref<1x128x64xf32, #tpu.memory_space<vmem>>
      %dma_start3A_421 = tpu.memref_squeeze %dma_start3A_420 : memref<1x128x64xf32, #tpu.memory_space<vmem>> -> memref<128x64xf32, #tpu.memory_space<vmem>>
      tpu.enqueue_dma source(%dma_start3A_421 : memref<128x64xf32, #tpu.memory_space<vmem>>) target(%dma_start3A_417 : memref<128x64xf32, #tpu.memory_space<hbm>>) target_semaphore(%arg9 : memref<!tpu.dma_semaphore, #tpu.memory_space<semaphore_mem>>)
      %dma_wait3A_422 = arith.constant 1 : i32
      %dma_wait3A_423 = arith.constant 0 : i32
      %dma_wait3A_424 = arith.constant 0 : i32
      %dma_wait3A_425 = tpu.memref_slice %arg6[%dma_wait3A_422, %dma_wait3A_423, %dma_wait3A_424] : memref<2x128x64xf32, #tpu.memory_space<vmem>> -> memref<1x128x64xf32, #tpu.memory_space<vmem>>
      %dma_wait3A_426 = tpu.memref_squeeze %dma_wait3A_425 : memref<1x128x64xf32, #tpu.memory_space<vmem>> -> memref<128x64xf32, #tpu.memory_space<vmem>>
      %dma_wait3A_427 = arith.constant 0 : i32
      %dma_wait3A_428 = tpu.memref_slice %arg4[%mul3A_2, %dma_wait3A_427] : memref<266240x128xf32, #tpu.memory_space<hbm>> -> memref<128x64xf32, #tpu.memory_space<hbm>>
      %dma_wait3A_429 = arith.constant 0 : i32
      %dma_wait3A_430 = tpu.memref_slice %arg4[%mul3A_2, %dma_wait3A_429] : memref<266240x128xf32, #tpu.memory_space<hbm>> -> memref<128x64xf32, #tpu.memory_space<hbm>>
      %dma_wait3A_431 = arith.constant 0 : i32
      %dma_wait3A_432 = arith.constant 0 : i32
      %dma_wait3A_433 = tpu.memref_slice %arg6[%dma_wait3A_422, %dma_wait3A_431, %dma_wait3A_432] : memref<2x128x64xf32, #tpu.memory_space<vmem>> -> memref<1x128x64xf32, #tpu.memory_space<vmem>>
      %dma_wait3A_434 = tpu.memref_squeeze %dma_wait3A_433 : memref<1x128x64xf32, #tpu.memory_space<vmem>> -> memref<128x64xf32, #tpu.memory_space<vmem>>
      tpu.wait_dma2 semaphore(%arg9 : memref<!tpu.dma_semaphore, #tpu.memory_space<semaphore_mem>>) src(%dma_wait3A_434 : memref<128x64xf32, #tpu.memory_space<vmem>>) dst(%dma_wait3A_430 : memref<128x64xf32, #tpu.memory_space<hbm>>)
      %dma_wait3A_435 = arith.constant 1 : i32
      %dma_wait3A_436 = arith.constant 0 : i32
      %dma_wait3A_437 = arith.constant 0 : i32
      %dma_wait3A_438 = tpu.memref_slice %arg6[%dma_wait3A_435, %dma_wait3A_436, %dma_wait3A_437] : memref<2x128x64xf32, #tpu.memory_space<vmem>> -> memref<1x128x64xf32, #tpu.memory_space<vmem>>
      %dma_wait3A_439 = tpu.memref_squeeze %dma_wait3A_438 : memref<1x128x64xf32, #tpu.memory_space<vmem>> -> memref<128x64xf32, #tpu.memory_space<vmem>>
      %dma_wait3A_440 = arith.constant 0 : i32
      %dma_wait3A_441 = tpu.memref_slice %arg4[%mul3A_2, %dma_wait3A_440] : memref<266240x128xf32, #tpu.memory_space<hbm>> -> memref<128x64xf32, #tpu.memory_space<hbm>>
      %dma_wait3A_442 = arith.constant 0 : i32
      %dma_wait3A_443 = tpu.memref_slice %arg4[%mul3A_2, %dma_wait3A_442] : memref<266240x128xf32, #tpu.memory_space<hbm>> -> memref<128x64xf32, #tpu.memory_space<hbm>>
      %dma_wait3A_444 = arith.constant 0 : i32
      %dma_wait3A_445 = arith.constant 0 : i32
      %dma_wait3A_446 = tpu.memref_slice %arg6[%dma_wait3A_435, %dma_wait3A_444, %dma_wait3A_445] : memref<2x128x64xf32, #tpu.memory_space<vmem>> -> memref<1x128x64xf32, #tpu.memory_space<vmem>>
      %dma_wait3A_447 = tpu.memref_squeeze %dma_wait3A_446 : memref<1x128x64xf32, #tpu.memory_space<vmem>> -> memref<128x64xf32, #tpu.memory_space<vmem>>
      tpu.wait_dma2 semaphore(%arg9 : memref<!tpu.dma_semaphore, #tpu.memory_space<semaphore_mem>>) src(%dma_wait3A_447 : memref<128x64xf32, #tpu.memory_space<vmem>>) dst(%dma_wait3A_443 : memref<128x64xf32, #tpu.memory_space<hbm>>)
      %add3A_448 = arith.constant 1 : i32
      %add3A_449 = arith.addi %mul3A_320, %add3A_448 : i32
      %dma_start3A_450 = arith.constant 1 : i32
      %dma_start3A_451 = arith.constant 0 : i32
      %dma_start3A_452 = arith.constant 0 : i32
      %dma_start3A_453 = tpu.memref_slice %arg6[%dma_start3A_450, %dma_start3A_451, %dma_start3A_452] : memref<2x128x64xf32, #tpu.memory_space<vmem>> -> memref<1x128x64xf32, #tpu.memory_space<vmem>>
      %dma_start3A_454 = tpu.memref_squeeze %dma_start3A_453 : memref<1x128x64xf32, #tpu.memory_space<vmem>> -> memref<128x64xf32, #tpu.memory_space<vmem>>
      %dma_start3A_455 = arith.constant 0 : i32
      %dma_start3A_456 = tpu.memref_slice %arg5[%add3A_449, %dma_start3A_455] : memref<130x128xi32, #tpu.memory_space<vmem>> -> memref<1x128xi32, #tpu.memory_space<vmem>>
      %dma_start3A_457 = tpu.memref_squeeze %dma_start3A_456 : memref<1x128xi32, #tpu.memory_space<vmem>> -> memref<128xi32, #tpu.memory_space<vmem>>
      %dma_start3A_458 = arith.constant 0 : i32
      %dma_start3A_459 = arith.constant 0 : i32
      %dma_start3A_460 = tpu.memref_slice %arg2[%dma_start3A_458, %dma_start3A_459] : memref<1000001x64xf32, #tpu.memory_space<hbm>> -> memref<1000001x64xf32, #tpu.memory_space<hbm>>
      tpu.enqueue_indirect_dma source(%dma_start3A_460 : memref<1000001x64xf32, #tpu.memory_space<hbm>>) target(%dma_start3A_454 : memref<128x64xf32, #tpu.memory_space<vmem>>) offsets(%dma_start3A_457 : memref<128xi32, #tpu.memory_space<vmem>>) semaphore(%arg8 : memref<!tpu.dma_semaphore, #tpu.memory_space<semaphore_mem>>)
      %add3A_461 = arith.constant 65 : i32
      %add3A_462 = arith.addi %add3A_461, %add3A_449 : i32
      %dma_start3A_463 = arith.constant 1 : i32
      %dma_start3A_464 = arith.constant 0 : i32
      %dma_start3A_465 = arith.constant 0 : i32
      %dma_start3A_466 = tpu.memref_slice %arg7[%dma_start3A_463, %dma_start3A_464, %dma_start3A_465] : memref<2x128x64xf32, #tpu.memory_space<vmem>> -> memref<1x128x64xf32, #tpu.memory_space<vmem>>
      %dma_start3A_467 = tpu.memref_squeeze %dma_start3A_466 : memref<1x128x64xf32, #tpu.memory_space<vmem>> -> memref<128x64xf32, #tpu.memory_space<vmem>>
      %dma_start3A_468 = arith.constant 0 : i32
      %dma_start3A_469 = tpu.memref_slice %arg5[%add3A_462, %dma_start3A_468] : memref<130x128xi32, #tpu.memory_space<vmem>> -> memref<1x128xi32, #tpu.memory_space<vmem>>
      %dma_start3A_470 = tpu.memref_squeeze %dma_start3A_469 : memref<1x128xi32, #tpu.memory_space<vmem>> -> memref<128xi32, #tpu.memory_space<vmem>>
      %dma_start3A_471 = arith.constant 0 : i32
      %dma_start3A_472 = arith.constant 0 : i32
      %dma_start3A_473 = tpu.memref_slice %arg2[%dma_start3A_471, %dma_start3A_472] : memref<1000001x64xf32, #tpu.memory_space<hbm>> -> memref<1000001x64xf32, #tpu.memory_space<hbm>>
      tpu.enqueue_indirect_dma source(%dma_start3A_473 : memref<1000001x64xf32, #tpu.memory_space<hbm>>) target(%dma_start3A_467 : memref<128x64xf32, #tpu.memory_space<vmem>>) offsets(%dma_start3A_470 : memref<128xi32, #tpu.memory_space<vmem>>) semaphore(%arg8 : memref<!tpu.dma_semaphore, #tpu.memory_space<semaphore_mem>>)
      %dma_wait3A_474 = arith.constant 1 : i32
      %dma_wait3A_475 = arith.constant 0 : i32
      %dma_wait3A_476 = arith.constant 0 : i32
      %dma_wait3A_477 = tpu.memref_slice %arg6[%dma_wait3A_474, %dma_wait3A_475, %dma_wait3A_476] : memref<2x128x64xf32, #tpu.memory_space<vmem>> -> memref<1x128x64xf32, #tpu.memory_space<vmem>>
      %dma_wait3A_478 = tpu.memref_squeeze %dma_wait3A_477 : memref<1x128x64xf32, #tpu.memory_space<vmem>> -> memref<128x64xf32, #tpu.memory_space<vmem>>
      %dma_wait3A_479 = arith.constant 0 : i32
      %dma_wait3A_480 = tpu.memref_slice %arg5[%add3A_449, %dma_wait3A_479] : memref<130x128xi32, #tpu.memory_space<vmem>> -> memref<1x128xi32, #tpu.memory_space<vmem>>
      %dma_wait3A_481 = tpu.memref_squeeze %dma_wait3A_480 : memref<1x128xi32, #tpu.memory_space<vmem>> -> memref<128xi32, #tpu.memory_space<vmem>>
      %dma_wait3A_482 = arith.constant 0 : i32
      %dma_wait3A_483 = arith.constant 0 : i32
      %dma_wait3A_484 = tpu.memref_slice %arg2[%dma_wait3A_482, %dma_wait3A_483] : memref<1000001x64xf32, #tpu.memory_space<hbm>> -> memref<1000001x64xf32, #tpu.memory_space<hbm>>
      tpu.wait_indirect_dma semaphore(%arg8 : memref<!tpu.dma_semaphore, #tpu.memory_space<semaphore_mem>>) src(%dma_wait3A_484 : memref<1000001x64xf32, #tpu.memory_space<hbm>>) dst(%dma_wait3A_478 : memref<128x64xf32, #tpu.memory_space<vmem>>)
      %dma_wait3A_485 = arith.constant 1 : i32
      %dma_wait3A_486 = arith.constant 0 : i32
      %dma_wait3A_487 = arith.constant 0 : i32
      %dma_wait3A_488 = tpu.memref_slice %arg7[%dma_wait3A_485, %dma_wait3A_486, %dma_wait3A_487] : memref<2x128x64xf32, #tpu.memory_space<vmem>> -> memref<1x128x64xf32, #tpu.memory_space<vmem>>
      %dma_wait3A_489 = tpu.memref_squeeze %dma_wait3A_488 : memref<1x128x64xf32, #tpu.memory_space<vmem>> -> memref<128x64xf32, #tpu.memory_space<vmem>>
      %dma_wait3A_490 = arith.constant 0 : i32
      %dma_wait3A_491 = tpu.memref_slice %arg5[%add3A_462, %dma_wait3A_490] : memref<130x128xi32, #tpu.memory_space<vmem>> -> memref<1x128xi32, #tpu.memory_space<vmem>>
      %dma_wait3A_492 = tpu.memref_squeeze %dma_wait3A_491 : memref<1x128xi32, #tpu.memory_space<vmem>> -> memref<128xi32, #tpu.memory_space<vmem>>
      %dma_wait3A_493 = arith.constant 0 : i32
      %dma_wait3A_494 = arith.constant 0 : i32
      %dma_wait3A_495 = tpu.memref_slice %arg2[%dma_wait3A_493, %dma_wait3A_494] : memref<1000001x64xf32, #tpu.memory_space<hbm>> -> memref<1000001x64xf32, #tpu.memory_space<hbm>>
      tpu.wait_indirect_dma semaphore(%arg8 : memref<!tpu.dma_semaphore, #tpu.memory_space<semaphore_mem>>) src(%dma_wait3A_495 : memref<1000001x64xf32, #tpu.memory_space<hbm>>) dst(%dma_wait3A_489 : memref<128x64xf32, #tpu.memory_space<vmem>>)
      %mul3A_496 = arith.constant 128 : i32
      %mul3A_497 = arith.muli %add3A_449, %mul3A_496 : i32
      %add3A_498 = arith.addi %mul3A_2, %mul3A_497 : i32
      %dma_start3A_499 = arith.constant 1 : i32
      %dma_start3A_500 = arith.constant 0 : i32
      %dma_start3A_501 = arith.constant 0 : i32
      %dma_start3A_502 = tpu.memref_slice %arg6[%dma_start3A_499, %dma_start3A_500, %dma_start3A_501] : memref<2x128x64xf32, #tpu.memory_space<vmem>> -> memref<1x128x64xf32, #tpu.memory_space<vmem>>
      %dma_start3A_503 = tpu.memref_squeeze %dma_start3A_502 : memref<1x128x64xf32, #tpu.memory_space<vmem>> -> memref<128x64xf32, #tpu.memory_space<vmem>>
      %dma_start3A_504 = arith.constant 0 : i32
      %dma_start3A_505 = tpu.memref_slice %arg4[%add3A_498, %dma_start3A_504] : memref<266240x128xf32, #tpu.memory_space<hbm>> -> memref<128x64xf32, #tpu.memory_space<hbm>>
      %dma_start3A_506 = arith.constant 0 : i32
      %dma_start3A_507 = tpu.memref_slice %arg4[%add3A_498, %dma_start3A_506] : memref<266240x128xf32, #tpu.memory_space<hbm>> -> memref<128x64xf32, #tpu.memory_space<hbm>>
      %dma_start3A_508 = arith.constant 0 : i32
      %dma_start3A_509 = arith.constant 0 : i32
      %dma_start3A_510 = tpu.memref_slice %arg6[%dma_start3A_499, %dma_start3A_508, %dma_start3A_509] : memref<2x128x64xf32, #tpu.memory_space<vmem>> -> memref<1x128x64xf32, #tpu.memory_space<vmem>>
      %dma_start3A_511 = tpu.memref_squeeze %dma_start3A_510 : memref<1x128x64xf32, #tpu.memory_space<vmem>> -> memref<128x64xf32, #tpu.memory_space<vmem>>
      tpu.enqueue_dma source(%dma_start3A_511 : memref<128x64xf32, #tpu.memory_space<vmem>>) target(%dma_start3A_507 : memref<128x64xf32, #tpu.memory_space<hbm>>) target_semaphore(%arg9 : memref<!tpu.dma_semaphore, #tpu.memory_space<semaphore_mem>>)
      %dma_start3A_512 = arith.constant 1 : i32
      %dma_start3A_513 = arith.constant 0 : i32
      %dma_start3A_514 = arith.constant 0 : i32
      %dma_start3A_515 = tpu.memref_slice %arg7[%dma_start3A_512, %dma_start3A_513, %dma_start3A_514] : memref<2x128x64xf32, #tpu.memory_space<vmem>> -> memref<1x128x64xf32, #tpu.memory_space<vmem>>
      %dma_start3A_516 = tpu.memref_squeeze %dma_start3A_515 : memref<1x128x64xf32, #tpu.memory_space<vmem>> -> memref<128x64xf32, #tpu.memory_space<vmem>>
      %dma_start3A_517 = arith.constant 64 : i32
      %dma_start3A_518 = tpu.memref_slice %arg4[%add3A_498, %dma_start3A_517] : memref<266240x128xf32, #tpu.memory_space<hbm>> -> memref<128x64xf32, #tpu.memory_space<hbm>>
      %dma_start3A_519 = arith.constant 64 : i32
      %dma_start3A_520 = tpu.memref_slice %arg4[%add3A_498, %dma_start3A_519] : memref<266240x128xf32, #tpu.memory_space<hbm>> -> memref<128x64xf32, #tpu.memory_space<hbm>>
      %dma_start3A_521 = arith.constant 0 : i32
      %dma_start3A_522 = arith.constant 0 : i32
      %dma_start3A_523 = tpu.memref_slice %arg7[%dma_start3A_512, %dma_start3A_521, %dma_start3A_522] : memref<2x128x64xf32, #tpu.memory_space<vmem>> -> memref<1x128x64xf32, #tpu.memory_space<vmem>>
      %dma_start3A_524 = tpu.memref_squeeze %dma_start3A_523 : memref<1x128x64xf32, #tpu.memory_space<vmem>> -> memref<128x64xf32, #tpu.memory_space<vmem>>
      tpu.enqueue_dma source(%dma_start3A_524 : memref<128x64xf32, #tpu.memory_space<vmem>>) target(%dma_start3A_520 : memref<128x64xf32, #tpu.memory_space<hbm>>) target_semaphore(%arg9 : memref<!tpu.dma_semaphore, #tpu.memory_space<semaphore_mem>>)
    }
    %scan3A_163 = arith.constant 31 : i32
    %dma_wait3A_164 = arith.constant 0 : i32
    %dma_wait3A_165 = arith.constant 0 : i32
    %dma_wait3A_166 = arith.constant 0 : i32
    %dma_wait3A_167 = tpu.memref_slice %arg6[%dma_wait3A_164, %dma_wait3A_165, %dma_wait3A_166] : memref<2x128x64xf32, #tpu.memory_space<vmem>> -> memref<1x128x64xf32, #tpu.memory_space<vmem>>
    %dma_wait3A_168 = tpu.memref_squeeze %dma_wait3A_167 : memref<1x128x64xf32, #tpu.memory_space<vmem>> -> memref<128x64xf32, #tpu.memory_space<vmem>>
    %dma_wait3A_169 = arith.constant 0 : i32
    %dma_wait3A_170 = tpu.memref_slice %arg4[%mul3A_2, %dma_wait3A_169] : memref<266240x128xf32, #tpu.memory_space<hbm>> -> memref<128x64xf32, #tpu.memory_space<hbm>>
    %dma_wait3A_171 = arith.constant 0 : i32
    %dma_wait3A_172 = tpu.memref_slice %arg4[%mul3A_2, %dma_wait3A_171] : memref<266240x128xf32, #tpu.memory_space<hbm>> -> memref<128x64xf32, #tpu.memory_space<hbm>>
    %dma_wait3A_173 = arith.constant 0 : i32
    %dma_wait3A_174 = arith.constant 0 : i32
    %dma_wait3A_175 = tpu.memref_slice %arg6[%dma_wait3A_164, %dma_wait3A_173, %dma_wait3A_174] : memref<2x128x64xf32, #tpu.memory_space<vmem>> -> memref<1x128x64xf32, #tpu.memory_space<vmem>>
    %dma_wait3A_176 = tpu.memref_squeeze %dma_wait3A_175 : memref<1x128x64xf32, #tpu.memory_space<vmem>> -> memref<128x64xf32, #tpu.memory_space<vmem>>
    tpu.wait_dma2 semaphore(%arg9 : memref<!tpu.dma_semaphore, #tpu.memory_space<semaphore_mem>>) src(%dma_wait3A_176 : memref<128x64xf32, #tpu.memory_space<vmem>>) dst(%dma_wait3A_172 : memref<128x64xf32, #tpu.memory_space<hbm>>)
    %dma_wait3A_177 = arith.constant 0 : i32
    %dma_wait3A_178 = arith.constant 0 : i32
    %dma_wait3A_179 = arith.constant 0 : i32
    %dma_wait3A_180 = tpu.memref_slice %arg6[%dma_wait3A_177, %dma_wait3A_178, %dma_wait3A_179] : memref<2x128x64xf32, #tpu.memory_space<vmem>> -> memref<1x128x64xf32, #tpu.memory_space<vmem>>
    %dma_wait3A_181 = tpu.memref_squeeze %dma_wait3A_180 : memref<1x128x64xf32, #tpu.memory_space<vmem>> -> memref<128x64xf32, #tpu.memory_space<vmem>>
    %dma_wait3A_182 = arith.constant 0 : i32
    %dma_wait3A_183 = tpu.memref_slice %arg4[%mul3A_2, %dma_wait3A_182] : memref<266240x128xf32, #tpu.memory_space<hbm>> -> memref<128x64xf32, #tpu.memory_space<hbm>>
    %dma_wait3A_184 = arith.constant 0 : i32
    %dma_wait3A_185 = tpu.memref_slice %arg4[%mul3A_2, %dma_wait3A_184] : memref<266240x128xf32, #tpu.memory_space<hbm>> -> memref<128x64xf32, #tpu.memory_space<hbm>>
    %dma_wait3A_186 = arith.constant 0 : i32
    %dma_wait3A_187 = arith.constant 0 : i32
    %dma_wait3A_188 = tpu.memref_slice %arg6[%dma_wait3A_177, %dma_wait3A_186, %dma_wait3A_187] : memref<2x128x64xf32, #tpu.memory_space<vmem>> -> memref<1x128x64xf32, #tpu.memory_space<vmem>>
    %dma_wait3A_189 = tpu.memref_squeeze %dma_wait3A_188 : memref<1x128x64xf32, #tpu.memory_space<vmem>> -> memref<128x64xf32, #tpu.memory_space<vmem>>
    tpu.wait_dma2 semaphore(%arg9 : memref<!tpu.dma_semaphore, #tpu.memory_space<semaphore_mem>>) src(%dma_wait3A_189 : memref<128x64xf32, #tpu.memory_space<vmem>>) dst(%dma_wait3A_185 : memref<128x64xf32, #tpu.memory_space<hbm>>)
    %dma_start3A_190 = arith.constant 64 : i32
    %dma_start3A_191 = arith.constant 0 : i32
    %dma_start3A_192 = arith.constant 0 : i32
    %dma_start3A_193 = arith.constant 0 : i32
    %dma_start3A_194 = tpu.memref_slice %arg6[%dma_start3A_191, %dma_start3A_192, %dma_start3A_193] : memref<2x128x64xf32, #tpu.memory_space<vmem>> -> memref<1x128x64xf32, #tpu.memory_space<vmem>>
    %dma_start3A_195 = tpu.memref_squeeze %dma_start3A_194 : memref<1x128x64xf32, #tpu.memory_space<vmem>> -> memref<128x64xf32, #tpu.memory_space<vmem>>
    %dma_start3A_196 = arith.constant 0 : i32
    %dma_start3A_197 = tpu.memref_slice %arg5[%dma_start3A_190, %dma_start3A_196] : memref<130x128xi32, #tpu.memory_space<vmem>> -> memref<1x128xi32, #tpu.memory_space<vmem>>
    %dma_start3A_198 = tpu.memref_squeeze %dma_start3A_197 : memref<1x128xi32, #tpu.memory_space<vmem>> -> memref<128xi32, #tpu.memory_space<vmem>>
    %dma_start3A_199 = arith.constant 0 : i32
    %dma_start3A_200 = arith.constant 0 : i32
    %dma_start3A_201 = tpu.memref_slice %arg2[%dma_start3A_199, %dma_start3A_200] : memref<1000001x64xf32, #tpu.memory_space<hbm>> -> memref<1000001x64xf32, #tpu.memory_space<hbm>>
    tpu.enqueue_indirect_dma source(%dma_start3A_201 : memref<1000001x64xf32, #tpu.memory_space<hbm>>) target(%dma_start3A_195 : memref<128x64xf32, #tpu.memory_space<vmem>>) offsets(%dma_start3A_198 : memref<128xi32, #tpu.memory_space<vmem>>) semaphore(%arg8 : memref<!tpu.dma_semaphore, #tpu.memory_space<semaphore_mem>>)
    %dma_start3A_202 = arith.constant 129 : i32
    %dma_start3A_203 = arith.constant 0 : i32
    %dma_start3A_204 = arith.constant 0 : i32
    %dma_start3A_205 = arith.constant 0 : i32
    %dma_start3A_206 = tpu.memref_slice %arg7[%dma_start3A_203, %dma_start3A_204, %dma_start3A_205] : memref<2x128x64xf32, #tpu.memory_space<vmem>> -> memref<1x128x64xf32, #tpu.memory_space<vmem>>
    %dma_start3A_207 = tpu.memref_squeeze %dma_start3A_206 : memref<1x128x64xf32, #tpu.memory_space<vmem>> -> memref<128x64xf32, #tpu.memory_space<vmem>>
    %dma_start3A_208 = arith.constant 0 : i32
    %dma_start3A_209 = tpu.memref_slice %arg5[%dma_start3A_202, %dma_start3A_208] : memref<130x128xi32, #tpu.memory_space<vmem>> -> memref<1x128xi32, #tpu.memory_space<vmem>>
    %dma_start3A_210 = tpu.memref_squeeze %dma_start3A_209 : memref<1x128xi32, #tpu.memory_space<vmem>> -> memref<128xi32, #tpu.memory_space<vmem>>
    %dma_start3A_211 = arith.constant 0 : i32
    %dma_start3A_212 = arith.constant 0 : i32
    %dma_start3A_213 = tpu.memref_slice %arg2[%dma_start3A_211, %dma_start3A_212] : memref<1000001x64xf32, #tpu.memory_space<hbm>> -> memref<1000001x64xf32, #tpu.memory_space<hbm>>
    tpu.enqueue_indirect_dma source(%dma_start3A_213 : memref<1000001x64xf32, #tpu.memory_space<hbm>>) target(%dma_start3A_207 : memref<128x64xf32, #tpu.memory_space<vmem>>) offsets(%dma_start3A_210 : memref<128xi32, #tpu.memory_space<vmem>>) semaphore(%arg8 : memref<!tpu.dma_semaphore, #tpu.memory_space<semaphore_mem>>)
    %dma_wait3A_214 = arith.constant 64 : i32
    %dma_wait3A_215 = arith.constant 0 : i32
    %dma_wait3A_216 = arith.constant 0 : i32
    %dma_wait3A_217 = arith.constant 0 : i32
    %dma_wait3A_218 = tpu.memref_slice %arg6[%dma_wait3A_215, %dma_wait3A_216, %dma_wait3A_217] : memref<2x128x64xf32, #tpu.memory_space<vmem>> -> memref<1x128x64xf32, #tpu.memory_space<vmem>>
    %dma_wait3A_219 = tpu.memref_squeeze %dma_wait3A_218 : memref<1x128x64xf32, #tpu.memory_space<vmem>> -> memref<128x64xf32, #tpu.memory_space<vmem>>
    %dma_wait3A_220 = arith.constant 0 : i32
    %dma_wait3A_221 = tpu.memref_slice %arg5[%dma_wait3A_214, %dma_wait3A_220] : memref<130x128xi32, #tpu.memory_space<vmem>> -> memref<1x128xi32, #tpu.memory_space<vmem>>
    %dma_wait3A_222 = tpu.memref_squeeze %dma_wait3A_221 : memref<1x128xi32, #tpu.memory_space<vmem>> -> memref<128xi32, #tpu.memory_space<vmem>>
    %dma_wait3A_223 = arith.constant 0 : i32
    %dma_wait3A_224 = arith.constant 0 : i32
    %dma_wait3A_225 = tpu.memref_slice %arg2[%dma_wait3A_223, %dma_wait3A_224] : memref<1000001x64xf32, #tpu.memory_space<hbm>> -> memref<1000001x64xf32, #tpu.memory_space<hbm>>
    tpu.wait_indirect_dma semaphore(%arg8 : memref<!tpu.dma_semaphore, #tpu.memory_space<semaphore_mem>>) src(%dma_wait3A_225 : memref<1000001x64xf32, #tpu.memory_space<hbm>>) dst(%dma_wait3A_219 : memref<128x64xf32, #tpu.memory_space<vmem>>)
    %dma_wait3A_226 = arith.constant 129 : i32
    %dma_wait3A_227 = arith.constant 0 : i32
    %dma_wait3A_228 = arith.constant 0 : i32
    %dma_wait3A_229 = arith.constant 0 : i32
    %dma_wait3A_230 = tpu.memref_slice %arg7[%dma_wait3A_227, %dma_wait3A_228, %dma_wait3A_229] : memref<2x128x64xf32, #tpu.memory_space<vmem>> -> memref<1x128x64xf32, #tpu.memory_space<vmem>>
    %dma_wait3A_231 = tpu.memref_squeeze %dma_wait3A_230 : memref<1x128x64xf32, #tpu.memory_space<vmem>> -> memref<128x64xf32, #tpu.memory_space<vmem>>
    %dma_wait3A_232 = arith.constant 0 : i32
    %dma_wait3A_233 = tpu.memref_slice %arg5[%dma_wait3A_226, %dma_wait3A_232] : memref<130x128xi32, #tpu.memory_space<vmem>> -> memref<1x128xi32, #tpu.memory_space<vmem>>
    %dma_wait3A_234 = tpu.memref_squeeze %dma_wait3A_233 : memref<1x128xi32, #tpu.memory_space<vmem>> -> memref<128xi32, #tpu.memory_space<vmem>>
    %dma_wait3A_235 = arith.constant 0 : i32
    %dma_wait3A_236 = arith.constant 0 : i32
    %dma_wait3A_237 = tpu.memref_slice %arg2[%dma_wait3A_235, %dma_wait3A_236] : memref<1000001x64xf32, #tpu.memory_space<hbm>> -> memref<1000001x64xf32, #tpu.memory_space<hbm>>
    tpu.wait_indirect_dma semaphore(%arg8 : memref<!tpu.dma_semaphore, #tpu.memory_space<semaphore_mem>>) src(%dma_wait3A_237 : memref<1000001x64xf32, #tpu.memory_space<hbm>>) dst(%dma_wait3A_231 : memref<128x64xf32, #tpu.memory_space<vmem>>)
    %add3A_238 = arith.constant 8192 : i32
    %add3A_239 = arith.addi %mul3A_2, %add3A_238 : i32
    %dma_start3A_240 = arith.constant 0 : i32
    %dma_start3A_241 = arith.constant 0 : i32
    %dma_start3A_242 = arith.constant 0 : i32
    %dma_start3A_243 = tpu.memref_slice %arg6[%dma_start3A_240, %dma_start3A_241, %dma_start3A_242] : memref<2x128x64xf32, #tpu.memory_space<vmem>> -> memref<1x128x64xf32, #tpu.memory_space<vmem>>
    %dma_start3A_244 = tpu.memref_squeeze %dma_start3A_243 : memref<1x128x64xf32, #tpu.memory_space<vmem>> -> memref<128x64xf32, #tpu.memory_space<vmem>>
    %dma_start3A_245 = arith.constant 0 : i32
    %dma_start3A_246 = tpu.memref_slice %arg4[%add3A_239, %dma_start3A_245] : memref<266240x128xf32, #tpu.memory_space<hbm>> -> memref<128x64xf32, #tpu.memory_space<hbm>>
    %dma_start3A_247 = arith.constant 0 : i32
    %dma_start3A_248 = tpu.memref_slice %arg4[%add3A_239, %dma_start3A_247] : memref<266240x128xf32, #tpu.memory_space<hbm>> -> memref<128x64xf32, #tpu.memory_space<hbm>>
    %dma_start3A_249 = arith.constant 0 : i32
    %dma_start3A_250 = arith.constant 0 : i32
    %dma_start3A_251 = tpu.memref_slice %arg6[%dma_start3A_240, %dma_start3A_249, %dma_start3A_250] : memref<2x128x64xf32, #tpu.memory_space<vmem>> -> memref<1x128x64xf32, #tpu.memory_space<vmem>>
    %dma_start3A_252 = tpu.memref_squeeze %dma_start3A_251 : memref<1x128x64xf32, #tpu.memory_space<vmem>> -> memref<128x64xf32, #tpu.memory_space<vmem>>
    tpu.enqueue_dma source(%dma_start3A_252 : memref<128x64xf32, #tpu.memory_space<vmem>>) target(%dma_start3A_248 : memref<128x64xf32, #tpu.memory_space<hbm>>) target_semaphore(%arg9 : memref<!tpu.dma_semaphore, #tpu.memory_space<semaphore_mem>>)
    %dma_start3A_253 = arith.constant 0 : i32
    %dma_start3A_254 = arith.constant 0 : i32
    %dma_start3A_255 = arith.constant 0 : i32
    %dma_start3A_256 = tpu.memref_slice %arg7[%dma_start3A_253, %dma_start3A_254, %dma_start3A_255] : memref<2x128x64xf32, #tpu.memory_space<vmem>> -> memref<1x128x64xf32, #tpu.memory_space<vmem>>
    %dma_start3A_257 = tpu.memref_squeeze %dma_start3A_256 : memref<1x128x64xf32, #tpu.memory_space<vmem>> -> memref<128x64xf32, #tpu.memory_space<vmem>>
    %dma_start3A_258 = arith.constant 64 : i32
    %dma_start3A_259 = tpu.memref_slice %arg4[%add3A_239, %dma_start3A_258] : memref<266240x128xf32, #tpu.memory_space<hbm>> -> memref<128x64xf32, #tpu.memory_space<hbm>>
    %dma_start3A_260 = arith.constant 64 : i32
    %dma_start3A_261 = tpu.memref_slice %arg4[%add3A_239, %dma_start3A_260] : memref<266240x128xf32, #tpu.memory_space<hbm>> -> memref<128x64xf32, #tpu.memory_space<hbm>>
    %dma_start3A_262 = arith.constant 0 : i32
    %dma_start3A_263 = arith.constant 0 : i32
    %dma_start3A_264 = tpu.memref_slice %arg7[%dma_start3A_253, %dma_start3A_262, %dma_start3A_263] : memref<2x128x64xf32, #tpu.memory_space<vmem>> -> memref<1x128x64xf32, #tpu.memory_space<vmem>>
    %dma_start3A_265 = tpu.memref_squeeze %dma_start3A_264 : memref<1x128x64xf32, #tpu.memory_space<vmem>> -> memref<128x64xf32, #tpu.memory_space<vmem>>
    tpu.enqueue_dma source(%dma_start3A_265 : memref<128x64xf32, #tpu.memory_space<vmem>>) target(%dma_start3A_261 : memref<128x64xf32, #tpu.memory_space<hbm>>) target_semaphore(%arg9 : memref<!tpu.dma_semaphore, #tpu.memory_space<semaphore_mem>>)
    %dma_wait3A_266 = arith.constant 1 : i32
    %dma_wait3A_267 = arith.constant 0 : i32
    %dma_wait3A_268 = arith.constant 0 : i32
    %dma_wait3A_269 = tpu.memref_slice %arg6[%dma_wait3A_266, %dma_wait3A_267, %dma_wait3A_268] : memref<2x128x64xf32, #tpu.memory_space<vmem>> -> memref<1x128x64xf32, #tpu.memory_space<vmem>>
    %dma_wait3A_270 = tpu.memref_squeeze %dma_wait3A_269 : memref<1x128x64xf32, #tpu.memory_space<vmem>> -> memref<128x64xf32, #tpu.memory_space<vmem>>
    %dma_wait3A_271 = arith.constant 0 : i32
    %dma_wait3A_272 = tpu.memref_slice %arg4[%mul3A_2, %dma_wait3A_271] : memref<266240x128xf32, #tpu.memory_space<hbm>> -> memref<128x64xf32, #tpu.memory_space<hbm>>
    %dma_wait3A_273 = arith.constant 0 : i32
    %dma_wait3A_274 = tpu.memref_slice %arg4[%mul3A_2, %dma_wait3A_273] : memref<266240x128xf32, #tpu.memory_space<hbm>> -> memref<128x64xf32, #tpu.memory_space<hbm>>
    %dma_wait3A_275 = arith.constant 0 : i32
    %dma_wait3A_276 = arith.constant 0 : i32
    %dma_wait3A_277 = tpu.memref_slice %arg6[%dma_wait3A_266, %dma_wait3A_275, %dma_wait3A_276] : memref<2x128x64xf32, #tpu.memory_space<vmem>> -> memref<1x128x64xf32, #tpu.memory_space<vmem>>
    %dma_wait3A_278 = tpu.memref_squeeze %dma_wait3A_277 : memref<1x128x64xf32, #tpu.memory_space<vmem>> -> memref<128x64xf32, #tpu.memory_space<vmem>>
    tpu.wait_dma2 semaphore(%arg9 : memref<!tpu.dma_semaphore, #tpu.memory_space<semaphore_mem>>) src(%dma_wait3A_278 : memref<128x64xf32, #tpu.memory_space<vmem>>) dst(%dma_wait3A_274 : memref<128x64xf32, #tpu.memory_space<hbm>>)
    %dma_wait3A_279 = arith.constant 1 : i32
    %dma_wait3A_280 = arith.constant 0 : i32
    %dma_wait3A_281 = arith.constant 0 : i32
    %dma_wait3A_282 = tpu.memref_slice %arg6[%dma_wait3A_279, %dma_wait3A_280, %dma_wait3A_281] : memref<2x128x64xf32, #tpu.memory_space<vmem>> -> memref<1x128x64xf32, #tpu.memory_space<vmem>>
    %dma_wait3A_283 = tpu.memref_squeeze %dma_wait3A_282 : memref<1x128x64xf32, #tpu.memory_space<vmem>> -> memref<128x64xf32, #tpu.memory_space<vmem>>
    %dma_wait3A_284 = arith.constant 0 : i32
    %dma_wait3A_285 = tpu.memref_slice %arg4[%mul3A_2, %dma_wait3A_284] : memref<266240x128xf32, #tpu.memory_space<hbm>> -> memref<128x64xf32, #tpu.memory_space<hbm>>
    %dma_wait3A_286 = arith.constant 0 : i32
    %dma_wait3A_287 = tpu.memref_slice %arg4[%mul3A_2, %dma_wait3A_286] : memref<266240x128xf32, #tpu.memory_space<hbm>> -> memref<128x64xf32, #tpu.memory_space<hbm>>
    %dma_wait3A_288 = arith.constant 0 : i32
    %dma_wait3A_289 = arith.constant 0 : i32
    %dma_wait3A_290 = tpu.memref_slice %arg6[%dma_wait3A_279, %dma_wait3A_288, %dma_wait3A_289] : memref<2x128x64xf32, #tpu.memory_space<vmem>> -> memref<1x128x64xf32, #tpu.memory_space<vmem>>
    %dma_wait3A_291 = tpu.memref_squeeze %dma_wait3A_290 : memref<1x128x64xf32, #tpu.memory_space<vmem>> -> memref<128x64xf32, #tpu.memory_space<vmem>>
    tpu.wait_dma2 semaphore(%arg9 : memref<!tpu.dma_semaphore, #tpu.memory_space<semaphore_mem>>) src(%dma_wait3A_291 : memref<128x64xf32, #tpu.memory_space<vmem>>) dst(%dma_wait3A_287 : memref<128x64xf32, #tpu.memory_space<hbm>>)
    %dma_wait3A_292 = arith.constant 0 : i32
    %dma_wait3A_293 = arith.constant 0 : i32
    %dma_wait3A_294 = arith.constant 0 : i32
    %dma_wait3A_295 = tpu.memref_slice %arg6[%dma_wait3A_292, %dma_wait3A_293, %dma_wait3A_294] : memref<2x128x64xf32, #tpu.memory_space<vmem>> -> memref<1x128x64xf32, #tpu.memory_space<vmem>>
    %dma_wait3A_296 = tpu.memref_squeeze %dma_wait3A_295 : memref<1x128x64xf32, #tpu.memory_space<vmem>> -> memref<128x64xf32, #tpu.memory_space<vmem>>
    %dma_wait3A_297 = arith.constant 0 : i32
    %dma_wait3A_298 = tpu.memref_slice %arg4[%mul3A_2, %dma_wait3A_297] : memref<266240x128xf32, #tpu.memory_space<hbm>> -> memref<128x64xf32, #tpu.memory_space<hbm>>
    %dma_wait3A_299 = arith.constant 0 : i32
    %dma_wait3A_300 = tpu.memref_slice %arg4[%mul3A_2, %dma_wait3A_299] : memref<266240x128xf32, #tpu.memory_space<hbm>> -> memref<128x64xf32, #tpu.memory_space<hbm>>
    %dma_wait3A_301 = arith.constant 0 : i32
    %dma_wait3A_302 = arith.constant 0 : i32
    %dma_wait3A_303 = tpu.memref_slice %arg6[%dma_wait3A_292, %dma_wait3A_301, %dma_wait3A_302] : memref<2x128x64xf32, #tpu.memory_space<vmem>> -> memref<1x128x64xf32, #tpu.memory_space<vmem>>
    %dma_wait3A_304 = tpu.memref_squeeze %dma_wait3A_303 : memref<1x128x64xf32, #tpu.memory_space<vmem>> -> memref<128x64xf32, #tpu.memory_space<vmem>>
    tpu.wait_dma2 semaphore(%arg9 : memref<!tpu.dma_semaphore, #tpu.memory_space<semaphore_mem>>) src(%dma_wait3A_304 : memref<128x64xf32, #tpu.memory_space<vmem>>) dst(%dma_wait3A_300 : memref<128x64xf32, #tpu.memory_space<hbm>>)
    %dma_wait3A_305 = arith.constant 0 : i32
    %dma_wait3A_306 = arith.constant 0 : i32
    %dma_wait3A_307 = arith.constant 0 : i32
    %dma_wait3A_308 = tpu.memref_slice %arg6[%dma_wait3A_305, %dma_wait3A_306, %dma_wait3A_307] : memref<2x128x64xf32, #tpu.memory_space<vmem>> -> memref<1x128x64xf32, #tpu.memory_space<vmem>>
    %dma_wait3A_309 = tpu.memref_squeeze %dma_wait3A_308 : memref<1x128x64xf32, #tpu.memory_space<vmem>> -> memref<128x64xf32, #tpu.memory_space<vmem>>
    %dma_wait3A_310 = arith.constant 0 : i32
    %dma_wait3A_311 = tpu.memref_slice %arg4[%mul3A_2, %dma_wait3A_310] : memref<266240x128xf32, #tpu.memory_space<hbm>> -> memref<128x64xf32, #tpu.memory_space<hbm>>
    %dma_wait3A_312 = arith.constant 0 : i32
    %dma_wait3A_313 = tpu.memref_slice %arg4[%mul3A_2, %dma_wait3A_312] : memref<266240x128xf32, #tpu.memory_space<hbm>> -> memref<128x64xf32, #tpu.memory_space<hbm>>
    %dma_wait3A_314 = arith.constant 0 : i32
    %dma_wait3A_315 = arith.constant 0 : i32
    %dma_wait3A_316 = tpu.memref_slice %arg6[%dma_wait3A_305, %dma_wait3A_314, %dma_wait3A_315] : memref<2x128x64xf32, #tpu.memory_space<vmem>> -> memref<1x128x64xf32, #tpu.memory_space<vmem>>
    %dma_wait3A_317 = tpu.memref_squeeze %dma_wait3A_316 : memref<1x128x64xf32, #tpu.memory_space<vmem>> -> memref<128x64xf32, #tpu.memory_space<vmem>>
    tpu.wait_dma2 semaphore(%arg9 : memref<!tpu.dma_semaphore, #tpu.memory_space<semaphore_mem>>) src(%dma_wait3A_317 : memref<128x64xf32, #tpu.memory_space<vmem>>) dst(%dma_wait3A_313 : memref<128x64xf32, #tpu.memory_space<hbm>>)
    return
  }
}

module attributes {stable_mosaic.version = 14 : i64} {
  func.func @body(%arg0: i32, %arg1: memref<1024x1x10x128xf32, #tpu.memory_space<vmem>>, %arg2: memref<1x2x10x64x1024xf32, #tpu.memory_space<vmem>>) attributes {dimension_semantics = [#tpu.dimension_semantics<arbitrary>], iteration_bounds = array<i64: 26>, scalar_prefetch = 0 : i64, scratch_operands = 0 : i64, tpu.core_type = #tpu.core_type<tc>, window_params = [{transform_indices = @transform_0, window_bounds = array<i64: 1024, 1, 10, 128>}, {transform_indices = @transform_1, window_bounds = array<i64: 1, 2, 10, 64, 1024>}]} {
    %get3A = arith.constant 0 : index
    %get3A_0 = arith.constant 0 : index
    %get3A_1 = arith.constant 0 : index
    %get3A_2 = arith.constant 0 : index
    %get3A_3 = vector.load %arg1[%get3A, %get3A_0, %get3A_1, %get3A_2] : memref<1024x1x10x128xf32, #tpu.memory_space<vmem>>, vector<1024x1x10x128xf32>
    %squeeze3A = vector.shape_cast %get3A_3 : vector<1024x1x10x128xf32> to vector<1024x10x128xf32>
    %slice3A = vector.extract_strided_slice %squeeze3A {offsets = [0, 0, 0], sizes = [128, 1, 128], strides = [1, 1, 1]} : vector<1024x10x128xf32> to vector<128x1x128xf32>
    %squeeze3A_4 = vector.shape_cast %slice3A : vector<128x1x128xf32> to vector<128x128xf32>
    %transpose3A = tpu.transpose %squeeze3A_4, [1, 0] : vector<128x128xf32> -> vector<128x128xf32>
    %reshape3A = vector.shape_cast %transpose3A : vector<128x128xf32> to vector<2x64x128xf32>
    %swap3A = arith.constant 0 : index
    %swap3A_5 = arith.constant 0 : index
    %swap3A_6 = arith.constant 0 : index
    %swap3A_7 = arith.constant 0 : index
    %swap3A_8 = arith.constant 0 : index
    %swap3A_9 = vector.load %arg2[%swap3A, %swap3A_5, %swap3A_6, %swap3A_7, %swap3A_8] : memref<1x2x10x64x1024xf32, #tpu.memory_space<vmem>>, vector<1x2x1x64x128xf32>
    %swap3A_10 = vector.shape_cast %swap3A_9 : vector<1x2x1x64x128xf32> to vector<2x64x128xf32>
    %swap3A_11 = vector.shape_cast %reshape3A : vector<2x64x128xf32> to vector<1x2x1x64x128xf32>
    tpu.vector_store %arg2[%swap3A, %swap3A_5, %swap3A_6, %swap3A_7, %swap3A_8], %swap3A_11 {strides = array<i32>} : memref<1x2x10x64x1024xf32, #tpu.memory_space<vmem>>, vector<1x2x1x64x128xf32>,
    %slice3A_12 = vector.extract_strided_slice %squeeze3A {offsets = [128, 0, 0], sizes = [128, 1, 128], strides = [1, 1, 1]} : vector<1024x10x128xf32> to vector<128x1x128xf32>
    %squeeze3A_13 = vector.shape_cast %slice3A_12 : vector<128x1x128xf32> to vector<128x128xf32>
    %transpose3A_14 = tpu.transpose %squeeze3A_13, [1, 0] : vector<128x128xf32> -> vector<128x128xf32>
    %reshape3A_15 = vector.shape_cast %transpose3A_14 : vector<128x128xf32> to vector<2x64x128xf32>
    %swap3A_16 = arith.constant 0 : index
    %swap3A_17 = arith.constant 0 : index
    %swap3A_18 = arith.constant 0 : index
    %swap3A_19 = arith.constant 0 : index
    %swap3A_20 = arith.constant 128 : index
    %swap3A_21 = vector.load %arg2[%swap3A_16, %swap3A_17, %swap3A_18, %swap3A_19, %swap3A_20] : memref<1x2x10x64x1024xf32, #tpu.memory_space<vmem>>, vector<1x2x1x64x128xf32>
    %swap3A_22 = vector.shape_cast %swap3A_21 : vector<1x2x1x64x128xf32> to vector<2x64x128xf32>
    %swap3A_23 = vector.shape_cast %reshape3A_15 : vector<2x64x128xf32> to vector<1x2x1x64x128xf32>
    tpu.vector_store %arg2[%swap3A_16, %swap3A_17, %swap3A_18, %swap3A_19, %swap3A_20], %swap3A_23 {strides = array<i32>} : memref<1x2x10x64x1024xf32, #tpu.memory_space<vmem>>, vector<1x2x1x64x128xf32>,
    %slice3A_24 = vector.extract_strided_slice %squeeze3A {offsets = [256, 0, 0], sizes = [128, 1, 128], strides = [1, 1, 1]} : vector<1024x10x128xf32> to vector<128x1x128xf32>
    %squeeze3A_25 = vector.shape_cast %slice3A_24 : vector<128x1x128xf32> to vector<128x128xf32>
    %transpose3A_26 = tpu.transpose %squeeze3A_25, [1, 0] : vector<128x128xf32> -> vector<128x128xf32>
    %reshape3A_27 = vector.shape_cast %transpose3A_26 : vector<128x128xf32> to vector<2x64x128xf32>
    %swap3A_28 = arith.constant 0 : index
    %swap3A_29 = arith.constant 0 : index
    %swap3A_30 = arith.constant 0 : index
    %swap3A_31 = arith.constant 0 : index
    %swap3A_32 = arith.constant 256 : index
    %swap3A_33 = vector.load %arg2[%swap3A_28, %swap3A_29, %swap3A_30, %swap3A_31, %swap3A_32] : memref<1x2x10x64x1024xf32, #tpu.memory_space<vmem>>, vector<1x2x1x64x128xf32>
    %swap3A_34 = vector.shape_cast %swap3A_33 : vector<1x2x1x64x128xf32> to vector<2x64x128xf32>
    %swap3A_35 = vector.shape_cast %reshape3A_27 : vector<2x64x128xf32> to vector<1x2x1x64x128xf32>
    tpu.vector_store %arg2[%swap3A_28, %swap3A_29, %swap3A_30, %swap3A_31, %swap3A_32], %swap3A_35 {strides = array<i32>} : memref<1x2x10x64x1024xf32, #tpu.memory_space<vmem>>, vector<1x2x1x64x128xf32>,
    %slice3A_36 = vector.extract_strided_slice %squeeze3A {offsets = [384, 0, 0], sizes = [128, 1, 128], strides = [1, 1, 1]} : vector<1024x10x128xf32> to vector<128x1x128xf32>
    %squeeze3A_37 = vector.shape_cast %slice3A_36 : vector<128x1x128xf32> to vector<128x128xf32>
    %transpose3A_38 = tpu.transpose %squeeze3A_37, [1, 0] : vector<128x128xf32> -> vector<128x128xf32>
    %reshape3A_39 = vector.shape_cast %transpose3A_38 : vector<128x128xf32> to vector<2x64x128xf32>
    %swap3A_40 = arith.constant 0 : index
    %swap3A_41 = arith.constant 0 : index
    %swap3A_42 = arith.constant 0 : index
    %swap3A_43 = arith.constant 0 : index
    %swap3A_44 = arith.constant 384 : index
    %swap3A_45 = vector.load %arg2[%swap3A_40, %swap3A_41, %swap3A_42, %swap3A_43, %swap3A_44] : memref<1x2x10x64x1024xf32, #tpu.memory_space<vmem>>, vector<1x2x1x64x128xf32>
    %swap3A_46 = vector.shape_cast %swap3A_45 : vector<1x2x1x64x128xf32> to vector<2x64x128xf32>
    %swap3A_47 = vector.shape_cast %reshape3A_39 : vector<2x64x128xf32> to vector<1x2x1x64x128xf32>
    tpu.vector_store %arg2[%swap3A_40, %swap3A_41, %swap3A_42, %swap3A_43, %swap3A_44], %swap3A_47 {strides = array<i32>} : memref<1x2x10x64x1024xf32, #tpu.memory_space<vmem>>, vector<1x2x1x64x128xf32>,
    %slice3A_48 = vector.extract_strided_slice %squeeze3A {offsets = [512, 0, 0], sizes = [128, 1, 128], strides = [1, 1, 1]} : vector<1024x10x128xf32> to vector<128x1x128xf32>
    %squeeze3A_49 = vector.shape_cast %slice3A_48 : vector<128x1x128xf32> to vector<128x128xf32>
    %transpose3A_50 = tpu.transpose %squeeze3A_49, [1, 0] : vector<128x128xf32> -> vector<128x128xf32>
    %reshape3A_51 = vector.shape_cast %transpose3A_50 : vector<128x128xf32> to vector<2x64x128xf32>
    %swap3A_52 = arith.constant 0 : index
    %swap3A_53 = arith.constant 0 : index
    %swap3A_54 = arith.constant 0 : index
    %swap3A_55 = arith.constant 0 : index
    %swap3A_56 = arith.constant 512 : index
    %swap3A_57 = vector.load %arg2[%swap3A_52, %swap3A_53, %swap3A_54, %swap3A_55, %swap3A_56] : memref<1x2x10x64x1024xf32, #tpu.memory_space<vmem>>, vector<1x2x1x64x128xf32>
    %swap3A_58 = vector.shape_cast %swap3A_57 : vector<1x2x1x64x128xf32> to vector<2x64x128xf32>
    %swap3A_59 = vector.shape_cast %reshape3A_51 : vector<2x64x128xf32> to vector<1x2x1x64x128xf32>
    tpu.vector_store %arg2[%swap3A_52, %swap3A_53, %swap3A_54, %swap3A_55, %swap3A_56], %swap3A_59 {strides = array<i32>} : memref<1x2x10x64x1024xf32, #tpu.memory_space<vmem>>, vector<1x2x1x64x128xf32>,
    %slice3A_60 = vector.extract_strided_slice %squeeze3A {offsets = [640, 0, 0], sizes = [128, 1, 128], strides = [1, 1, 1]} : vector<1024x10x128xf32> to vector<128x1x128xf32>
    %squeeze3A_61 = vector.shape_cast %slice3A_60 : vector<128x1x128xf32> to vector<128x128xf32>
    %transpose3A_62 = tpu.transpose %squeeze3A_61, [1, 0] : vector<128x128xf32> -> vector<128x128xf32>
    %reshape3A_63 = vector.shape_cast %transpose3A_62 : vector<128x128xf32> to vector<2x64x128xf32>
    %swap3A_64 = arith.constant 0 : index
    %swap3A_65 = arith.constant 0 : index
    %swap3A_66 = arith.constant 0 : index
    %swap3A_67 = arith.constant 0 : index
    %swap3A_68 = arith.constant 640 : index
    %swap3A_69 = vector.load %arg2[%swap3A_64, %swap3A_65, %swap3A_66, %swap3A_67, %swap3A_68] : memref<1x2x10x64x1024xf32, #tpu.memory_space<vmem>>, vector<1x2x1x64x128xf32>
    %swap3A_70 = vector.shape_cast %swap3A_69 : vector<1x2x1x64x128xf32> to vector<2x64x128xf32>
    %swap3A_71 = vector.shape_cast %reshape3A_63 : vector<2x64x128xf32> to vector<1x2x1x64x128xf32>
    tpu.vector_store %arg2[%swap3A_64, %swap3A_65, %swap3A_66, %swap3A_67, %swap3A_68], %swap3A_71 {strides = array<i32>} : memref<1x2x10x64x1024xf32, #tpu.memory_space<vmem>>, vector<1x2x1x64x128xf32>,
    %slice3A_72 = vector.extract_strided_slice %squeeze3A {offsets = [768, 0, 0], sizes = [128, 1, 128], strides = [1, 1, 1]} : vector<1024x10x128xf32> to vector<128x1x128xf32>
    %squeeze3A_73 = vector.shape_cast %slice3A_72 : vector<128x1x128xf32> to vector<128x128xf32>
    %transpose3A_74 = tpu.transpose %squeeze3A_73, [1, 0] : vector<128x128xf32> -> vector<128x128xf32>
    %reshape3A_75 = vector.shape_cast %transpose3A_74 : vector<128x128xf32> to vector<2x64x128xf32>
    %swap3A_76 = arith.constant 0 : index
    %swap3A_77 = arith.constant 0 : index
    %swap3A_78 = arith.constant 0 : index
    %swap3A_79 = arith.constant 0 : index
    %swap3A_80 = arith.constant 768 : index
    %swap3A_81 = vector.load %arg2[%swap3A_76, %swap3A_77, %swap3A_78, %swap3A_79, %swap3A_80] : memref<1x2x10x64x1024xf32, #tpu.memory_space<vmem>>, vector<1x2x1x64x128xf32>
    %swap3A_82 = vector.shape_cast %swap3A_81 : vector<1x2x1x64x128xf32> to vector<2x64x128xf32>
    %swap3A_83 = vector.shape_cast %reshape3A_75 : vector<2x64x128xf32> to vector<1x2x1x64x128xf32>
    tpu.vector_store %arg2[%swap3A_76, %swap3A_77, %swap3A_78, %swap3A_79, %swap3A_80], %swap3A_83 {strides = array<i32>} : memref<1x2x10x64x1024xf32, #tpu.memory_space<vmem>>, vector<1x2x1x64x128xf32>,
    %slice3A_84 = vector.extract_strided_slice %squeeze3A {offsets = [896, 0, 0], sizes = [128, 1, 128], strides = [1, 1, 1]} : vector<1024x10x128xf32> to vector<128x1x128xf32>
    %squeeze3A_85 = vector.shape_cast %slice3A_84 : vector<128x1x128xf32> to vector<128x128xf32>
    %transpose3A_86 = tpu.transpose %squeeze3A_85, [1, 0] : vector<128x128xf32> -> vector<128x128xf32>
    %reshape3A_87 = vector.shape_cast %transpose3A_86 : vector<128x128xf32> to vector<2x64x128xf32>
    %swap3A_88 = arith.constant 0 : index
    %swap3A_89 = arith.constant 0 : index
    %swap3A_90 = arith.constant 0 : index
    %swap3A_91 = arith.constant 0 : index
    %swap3A_92 = arith.constant 896 : index
    %swap3A_93 = vector.load %arg2[%swap3A_88, %swap3A_89, %swap3A_90, %swap3A_91, %swap3A_92] : memref<1x2x10x64x1024xf32, #tpu.memory_space<vmem>>, vector<1x2x1x64x128xf32>
    %swap3A_94 = vector.shape_cast %swap3A_93 : vector<1x2x1x64x128xf32> to vector<2x64x128xf32>
    %swap3A_95 = vector.shape_cast %reshape3A_87 : vector<2x64x128xf32> to vector<1x2x1x64x128xf32>
    tpu.vector_store %arg2[%swap3A_88, %swap3A_89, %swap3A_90, %swap3A_91, %swap3A_92], %swap3A_95 {strides = array<i32>} : memref<1x2x10x64x1024xf32, #tpu.memory_space<vmem>>, vector<1x2x1x64x128xf32>,
    %slice3A_96 = vector.extract_strided_slice %squeeze3A {offsets = [0, 1, 0], sizes = [128, 1, 128], strides = [1, 1, 1]} : vector<1024x10x128xf32> to vector<128x1x128xf32>
    %squeeze3A_97 = vector.shape_cast %slice3A_96 : vector<128x1x128xf32> to vector<128x128xf32>
    %transpose3A_98 = tpu.transpose %squeeze3A_97, [1, 0] : vector<128x128xf32> -> vector<128x128xf32>
    %reshape3A_99 = vector.shape_cast %transpose3A_98 : vector<128x128xf32> to vector<2x64x128xf32>
    %swap3A_100 = arith.constant 0 : index
    %swap3A_101 = arith.constant 0 : index
    %swap3A_102 = arith.constant 1 : index
    %swap3A_103 = arith.constant 0 : index
    %swap3A_104 = arith.constant 0 : index
    %swap3A_105 = vector.load %arg2[%swap3A_100, %swap3A_101, %swap3A_102, %swap3A_103, %swap3A_104] : memref<1x2x10x64x1024xf32, #tpu.memory_space<vmem>>, vector<1x2x1x64x128xf32>
    %swap3A_106 = vector.shape_cast %swap3A_105 : vector<1x2x1x64x128xf32> to vector<2x64x128xf32>
    %swap3A_107 = vector.shape_cast %reshape3A_99 : vector<2x64x128xf32> to vector<1x2x1x64x128xf32>
    tpu.vector_store %arg2[%swap3A_100, %swap3A_101, %swap3A_102, %swap3A_103, %swap3A_104], %swap3A_107 {strides = array<i32>} : memref<1x2x10x64x1024xf32, #tpu.memory_space<vmem>>, vector<1x2x1x64x128xf32>,
    %slice3A_108 = vector.extract_strided_slice %squeeze3A {offsets = [128, 1, 0], sizes = [128, 1, 128], strides = [1, 1, 1]} : vector<1024x10x128xf32> to vector<128x1x128xf32>
    %squeeze3A_109 = vector.shape_cast %slice3A_108 : vector<128x1x128xf32> to vector<128x128xf32>
    %transpose3A_110 = tpu.transpose %squeeze3A_109, [1, 0] : vector<128x128xf32> -> vector<128x128xf32>
    %reshape3A_111 = vector.shape_cast %transpose3A_110 : vector<128x128xf32> to vector<2x64x128xf32>
    %swap3A_112 = arith.constant 0 : index
    %swap3A_113 = arith.constant 0 : index
    %swap3A_114 = arith.constant 1 : index
    %swap3A_115 = arith.constant 0 : index
    %swap3A_116 = arith.constant 128 : index
    %swap3A_117 = vector.load %arg2[%swap3A_112, %swap3A_113, %swap3A_114, %swap3A_115, %swap3A_116] : memref<1x2x10x64x1024xf32, #tpu.memory_space<vmem>>, vector<1x2x1x64x128xf32>
    %swap3A_118 = vector.shape_cast %swap3A_117 : vector<1x2x1x64x128xf32> to vector<2x64x128xf32>
    %swap3A_119 = vector.shape_cast %reshape3A_111 : vector<2x64x128xf32> to vector<1x2x1x64x128xf32>
    tpu.vector_store %arg2[%swap3A_112, %swap3A_113, %swap3A_114, %swap3A_115, %swap3A_116], %swap3A_119 {strides = array<i32>} : memref<1x2x10x64x1024xf32, #tpu.memory_space<vmem>>, vector<1x2x1x64x128xf32>,
    %slice3A_120 = vector.extract_strided_slice %squeeze3A {offsets = [256, 1, 0], sizes = [128, 1, 128], strides = [1, 1, 1]} : vector<1024x10x128xf32> to vector<128x1x128xf32>
    %squeeze3A_121 = vector.shape_cast %slice3A_120 : vector<128x1x128xf32> to vector<128x128xf32>
    %transpose3A_122 = tpu.transpose %squeeze3A_121, [1, 0] : vector<128x128xf32> -> vector<128x128xf32>
    %reshape3A_123 = vector.shape_cast %transpose3A_122 : vector<128x128xf32> to vector<2x64x128xf32>
    %swap3A_124 = arith.constant 0 : index
    %swap3A_125 = arith.constant 0 : index
    %swap3A_126 = arith.constant 1 : index
    %swap3A_127 = arith.constant 0 : index
    %swap3A_128 = arith.constant 256 : index
    %swap3A_129 = vector.load %arg2[%swap3A_124, %swap3A_125, %swap3A_126, %swap3A_127, %swap3A_128] : memref<1x2x10x64x1024xf32, #tpu.memory_space<vmem>>, vector<1x2x1x64x128xf32>
    %swap3A_130 = vector.shape_cast %swap3A_129 : vector<1x2x1x64x128xf32> to vector<2x64x128xf32>
    %swap3A_131 = vector.shape_cast %reshape3A_123 : vector<2x64x128xf32> to vector<1x2x1x64x128xf32>
    tpu.vector_store %arg2[%swap3A_124, %swap3A_125, %swap3A_126, %swap3A_127, %swap3A_128], %swap3A_131 {strides = array<i32>} : memref<1x2x10x64x1024xf32, #tpu.memory_space<vmem>>, vector<1x2x1x64x128xf32>,
    %slice3A_132 = vector.extract_strided_slice %squeeze3A {offsets = [384, 1, 0], sizes = [128, 1, 128], strides = [1, 1, 1]} : vector<1024x10x128xf32> to vector<128x1x128xf32>
    %squeeze3A_133 = vector.shape_cast %slice3A_132 : vector<128x1x128xf32> to vector<128x128xf32>
    %transpose3A_134 = tpu.transpose %squeeze3A_133, [1, 0] : vector<128x128xf32> -> vector<128x128xf32>
    %reshape3A_135 = vector.shape_cast %transpose3A_134 : vector<128x128xf32> to vector<2x64x128xf32>
    %swap3A_136 = arith.constant 0 : index
    %swap3A_137 = arith.constant 0 : index
    %swap3A_138 = arith.constant 1 : index
    %swap3A_139 = arith.constant 0 : index
    %swap3A_140 = arith.constant 384 : index
    %swap3A_141 = vector.load %arg2[%swap3A_136, %swap3A_137, %swap3A_138, %swap3A_139, %swap3A_140] : memref<1x2x10x64x1024xf32, #tpu.memory_space<vmem>>, vector<1x2x1x64x128xf32>
    %swap3A_142 = vector.shape_cast %swap3A_141 : vector<1x2x1x64x128xf32> to vector<2x64x128xf32>
    %swap3A_143 = vector.shape_cast %reshape3A_135 : vector<2x64x128xf32> to vector<1x2x1x64x128xf32>
    tpu.vector_store %arg2[%swap3A_136, %swap3A_137, %swap3A_138, %swap3A_139, %swap3A_140], %swap3A_143 {strides = array<i32>} : memref<1x2x10x64x1024xf32, #tpu.memory_space<vmem>>, vector<1x2x1x64x128xf32>,
    %slice3A_144 = vector.extract_strided_slice %squeeze3A {offsets = [512, 1, 0], sizes = [128, 1, 128], strides = [1, 1, 1]} : vector<1024x10x128xf32> to vector<128x1x128xf32>
    %squeeze3A_145 = vector.shape_cast %slice3A_144 : vector<128x1x128xf32> to vector<128x128xf32>
    %transpose3A_146 = tpu.transpose %squeeze3A_145, [1, 0] : vector<128x128xf32> -> vector<128x128xf32>
    %reshape3A_147 = vector.shape_cast %transpose3A_146 : vector<128x128xf32> to vector<2x64x128xf32>
    %swap3A_148 = arith.constant 0 : index
    %swap3A_149 = arith.constant 0 : index
    %swap3A_150 = arith.constant 1 : index
    %swap3A_151 = arith.constant 0 : index
    %swap3A_152 = arith.constant 512 : index
    %swap3A_153 = vector.load %arg2[%swap3A_148, %swap3A_149, %swap3A_150, %swap3A_151, %swap3A_152] : memref<1x2x10x64x1024xf32, #tpu.memory_space<vmem>>, vector<1x2x1x64x128xf32>
    %swap3A_154 = vector.shape_cast %swap3A_153 : vector<1x2x1x64x128xf32> to vector<2x64x128xf32>
    %swap3A_155 = vector.shape_cast %reshape3A_147 : vector<2x64x128xf32> to vector<1x2x1x64x128xf32>
    tpu.vector_store %arg2[%swap3A_148, %swap3A_149, %swap3A_150, %swap3A_151, %swap3A_152], %swap3A_155 {strides = array<i32>} : memref<1x2x10x64x1024xf32, #tpu.memory_space<vmem>>, vector<1x2x1x64x128xf32>,
    %slice3A_156 = vector.extract_strided_slice %squeeze3A {offsets = [640, 1, 0], sizes = [128, 1, 128], strides = [1, 1, 1]} : vector<1024x10x128xf32> to vector<128x1x128xf32>
    %squeeze3A_157 = vector.shape_cast %slice3A_156 : vector<128x1x128xf32> to vector<128x128xf32>
    %transpose3A_158 = tpu.transpose %squeeze3A_157, [1, 0] : vector<128x128xf32> -> vector<128x128xf32>
    %reshape3A_159 = vector.shape_cast %transpose3A_158 : vector<128x128xf32> to vector<2x64x128xf32>
    %swap3A_160 = arith.constant 0 : index
    %swap3A_161 = arith.constant 0 : index
    %swap3A_162 = arith.constant 1 : index
    %swap3A_163 = arith.constant 0 : index
    %swap3A_164 = arith.constant 640 : index
    %swap3A_165 = vector.load %arg2[%swap3A_160, %swap3A_161, %swap3A_162, %swap3A_163, %swap3A_164] : memref<1x2x10x64x1024xf32, #tpu.memory_space<vmem>>, vector<1x2x1x64x128xf32>
    %swap3A_166 = vector.shape_cast %swap3A_165 : vector<1x2x1x64x128xf32> to vector<2x64x128xf32>
    %swap3A_167 = vector.shape_cast %reshape3A_159 : vector<2x64x128xf32> to vector<1x2x1x64x128xf32>
    tpu.vector_store %arg2[%swap3A_160, %swap3A_161, %swap3A_162, %swap3A_163, %swap3A_164], %swap3A_167 {strides = array<i32>} : memref<1x2x10x64x1024xf32, #tpu.memory_space<vmem>>, vector<1x2x1x64x128xf32>,
    %slice3A_168 = vector.extract_strided_slice %squeeze3A {offsets = [768, 1, 0], sizes = [128, 1, 128], strides = [1, 1, 1]} : vector<1024x10x128xf32> to vector<128x1x128xf32>
    %squeeze3A_169 = vector.shape_cast %slice3A_168 : vector<128x1x128xf32> to vector<128x128xf32>
    %transpose3A_170 = tpu.transpose %squeeze3A_169, [1, 0] : vector<128x128xf32> -> vector<128x128xf32>
    %reshape3A_171 = vector.shape_cast %transpose3A_170 : vector<128x128xf32> to vector<2x64x128xf32>
    %swap3A_172 = arith.constant 0 : index
    %swap3A_173 = arith.constant 0 : index
    %swap3A_174 = arith.constant 1 : index
    %swap3A_175 = arith.constant 0 : index
    %swap3A_176 = arith.constant 768 : index
    %swap3A_177 = vector.load %arg2[%swap3A_172, %swap3A_173, %swap3A_174, %swap3A_175, %swap3A_176] : memref<1x2x10x64x1024xf32, #tpu.memory_space<vmem>>, vector<1x2x1x64x128xf32>
    %swap3A_178 = vector.shape_cast %swap3A_177 : vector<1x2x1x64x128xf32> to vector<2x64x128xf32>
    %swap3A_179 = vector.shape_cast %reshape3A_171 : vector<2x64x128xf32> to vector<1x2x1x64x128xf32>
    tpu.vector_store %arg2[%swap3A_172, %swap3A_173, %swap3A_174, %swap3A_175, %swap3A_176], %swap3A_179 {strides = array<i32>} : memref<1x2x10x64x1024xf32, #tpu.memory_space<vmem>>, vector<1x2x1x64x128xf32>,
    %slice3A_180 = vector.extract_strided_slice %squeeze3A {offsets = [896, 1, 0], sizes = [128, 1, 128], strides = [1, 1, 1]} : vector<1024x10x128xf32> to vector<128x1x128xf32>
    %squeeze3A_181 = vector.shape_cast %slice3A_180 : vector<128x1x128xf32> to vector<128x128xf32>
    %transpose3A_182 = tpu.transpose %squeeze3A_181, [1, 0] : vector<128x128xf32> -> vector<128x128xf32>
    %reshape3A_183 = vector.shape_cast %transpose3A_182 : vector<128x128xf32> to vector<2x64x128xf32>
    %swap3A_184 = arith.constant 0 : index
    %swap3A_185 = arith.constant 0 : index
    %swap3A_186 = arith.constant 1 : index
    %swap3A_187 = arith.constant 0 : index
    %swap3A_188 = arith.constant 896 : index
    %swap3A_189 = vector.load %arg2[%swap3A_184, %swap3A_185, %swap3A_186, %swap3A_187, %swap3A_188] : memref<1x2x10x64x1024xf32, #tpu.memory_space<vmem>>, vector<1x2x1x64x128xf32>
    %swap3A_190 = vector.shape_cast %swap3A_189 : vector<1x2x1x64x128xf32> to vector<2x64x128xf32>
    %swap3A_191 = vector.shape_cast %reshape3A_183 : vector<2x64x128xf32> to vector<1x2x1x64x128xf32>
    tpu.vector_store %arg2[%swap3A_184, %swap3A_185, %swap3A_186, %swap3A_187, %swap3A_188], %swap3A_191 {strides = array<i32>} : memref<1x2x10x64x1024xf32, #tpu.memory_space<vmem>>, vector<1x2x1x64x128xf32>,
    %slice3A_192 = vector.extract_strided_slice %squeeze3A {offsets = [0, 2, 0], sizes = [128, 1, 128], strides = [1, 1, 1]} : vector<1024x10x128xf32> to vector<128x1x128xf32>
    %squeeze3A_193 = vector.shape_cast %slice3A_192 : vector<128x1x128xf32> to vector<128x128xf32>
    %transpose3A_194 = tpu.transpose %squeeze3A_193, [1, 0] : vector<128x128xf32> -> vector<128x128xf32>
    %reshape3A_195 = vector.shape_cast %transpose3A_194 : vector<128x128xf32> to vector<2x64x128xf32>
    %swap3A_196 = arith.constant 0 : index
    %swap3A_197 = arith.constant 0 : index
    %swap3A_198 = arith.constant 2 : index
    %swap3A_199 = arith.constant 0 : index
    %swap3A_200 = arith.constant 0 : index
    %swap3A_201 = vector.load %arg2[%swap3A_196, %swap3A_197, %swap3A_198, %swap3A_199, %swap3A_200] : memref<1x2x10x64x1024xf32, #tpu.memory_space<vmem>>, vector<1x2x1x64x128xf32>
    %swap3A_202 = vector.shape_cast %swap3A_201 : vector<1x2x1x64x128xf32> to vector<2x64x128xf32>
    %swap3A_203 = vector.shape_cast %reshape3A_195 : vector<2x64x128xf32> to vector<1x2x1x64x128xf32>
    tpu.vector_store %arg2[%swap3A_196, %swap3A_197, %swap3A_198, %swap3A_199, %swap3A_200], %swap3A_203 {strides = array<i32>} : memref<1x2x10x64x1024xf32, #tpu.memory_space<vmem>>, vector<1x2x1x64x128xf32>,
    %slice3A_204 = vector.extract_strided_slice %squeeze3A {offsets = [128, 2, 0], sizes = [128, 1, 128], strides = [1, 1, 1]} : vector<1024x10x128xf32> to vector<128x1x128xf32>
    %squeeze3A_205 = vector.shape_cast %slice3A_204 : vector<128x1x128xf32> to vector<128x128xf32>
    %transpose3A_206 = tpu.transpose %squeeze3A_205, [1, 0] : vector<128x128xf32> -> vector<128x128xf32>
    %reshape3A_207 = vector.shape_cast %transpose3A_206 : vector<128x128xf32> to vector<2x64x128xf32>
    %swap3A_208 = arith.constant 0 : index
    %swap3A_209 = arith.constant 0 : index
    %swap3A_210 = arith.constant 2 : index
    %swap3A_211 = arith.constant 0 : index
    %swap3A_212 = arith.constant 128 : index
    %swap3A_213 = vector.load %arg2[%swap3A_208, %swap3A_209, %swap3A_210, %swap3A_211, %swap3A_212] : memref<1x2x10x64x1024xf32, #tpu.memory_space<vmem>>, vector<1x2x1x64x128xf32>
    %swap3A_214 = vector.shape_cast %swap3A_213 : vector<1x2x1x64x128xf32> to vector<2x64x128xf32>
    %swap3A_215 = vector.shape_cast %reshape3A_207 : vector<2x64x128xf32> to vector<1x2x1x64x128xf32>
    tpu.vector_store %arg2[%swap3A_208, %swap3A_209, %swap3A_210, %swap3A_211, %swap3A_212], %swap3A_215 {strides = array<i32>} : memref<1x2x10x64x1024xf32, #tpu.memory_space<vmem>>, vector<1x2x1x64x128xf32>,
    %slice3A_216 = vector.extract_strided_slice %squeeze3A {offsets = [256, 2, 0], sizes = [128, 1, 128], strides = [1, 1, 1]} : vector<1024x10x128xf32> to vector<128x1x128xf32>
    %squeeze3A_217 = vector.shape_cast %slice3A_216 : vector<128x1x128xf32> to vector<128x128xf32>
    %transpose3A_218 = tpu.transpose %squeeze3A_217, [1, 0] : vector<128x128xf32> -> vector<128x128xf32>
    %reshape3A_219 = vector.shape_cast %transpose3A_218 : vector<128x128xf32> to vector<2x64x128xf32>
    %swap3A_220 = arith.constant 0 : index
    %swap3A_221 = arith.constant 0 : index
    %swap3A_222 = arith.constant 2 : index
    %swap3A_223 = arith.constant 0 : index
    %swap3A_224 = arith.constant 256 : index
    %swap3A_225 = vector.load %arg2[%swap3A_220, %swap3A_221, %swap3A_222, %swap3A_223, %swap3A_224] : memref<1x2x10x64x1024xf32, #tpu.memory_space<vmem>>, vector<1x2x1x64x128xf32>
    %swap3A_226 = vector.shape_cast %swap3A_225 : vector<1x2x1x64x128xf32> to vector<2x64x128xf32>
    %swap3A_227 = vector.shape_cast %reshape3A_219 : vector<2x64x128xf32> to vector<1x2x1x64x128xf32>
    tpu.vector_store %arg2[%swap3A_220, %swap3A_221, %swap3A_222, %swap3A_223, %swap3A_224], %swap3A_227 {strides = array<i32>} : memref<1x2x10x64x1024xf32, #tpu.memory_space<vmem>>, vector<1x2x1x64x128xf32>,
    %slice3A_228 = vector.extract_strided_slice %squeeze3A {offsets = [384, 2, 0], sizes = [128, 1, 128], strides = [1, 1, 1]} : vector<1024x10x128xf32> to vector<128x1x128xf32>
    %squeeze3A_229 = vector.shape_cast %slice3A_228 : vector<128x1x128xf32> to vector<128x128xf32>
    %transpose3A_230 = tpu.transpose %squeeze3A_229, [1, 0] : vector<128x128xf32> -> vector<128x128xf32>
    %reshape3A_231 = vector.shape_cast %transpose3A_230 : vector<128x128xf32> to vector<2x64x128xf32>
    %swap3A_232 = arith.constant 0 : index
    %swap3A_233 = arith.constant 0 : index
    %swap3A_234 = arith.constant 2 : index
    %swap3A_235 = arith.constant 0 : index
    %swap3A_236 = arith.constant 384 : index
    %swap3A_237 = vector.load %arg2[%swap3A_232, %swap3A_233, %swap3A_234, %swap3A_235, %swap3A_236] : memref<1x2x10x64x1024xf32, #tpu.memory_space<vmem>>, vector<1x2x1x64x128xf32>
    %swap3A_238 = vector.shape_cast %swap3A_237 : vector<1x2x1x64x128xf32> to vector<2x64x128xf32>
    %swap3A_239 = vector.shape_cast %reshape3A_231 : vector<2x64x128xf32> to vector<1x2x1x64x128xf32>
    tpu.vector_store %arg2[%swap3A_232, %swap3A_233, %swap3A_234, %swap3A_235, %swap3A_236], %swap3A_239 {strides = array<i32>} : memref<1x2x10x64x1024xf32, #tpu.memory_space<vmem>>, vector<1x2x1x64x128xf32>,
    %slice3A_240 = vector.extract_strided_slice %squeeze3A {offsets = [512, 2, 0], sizes = [128, 1, 128], strides = [1, 1, 1]} : vector<1024x10x128xf32> to vector<128x1x128xf32>
    %squeeze3A_241 = vector.shape_cast %slice3A_240 : vector<128x1x128xf32> to vector<128x128xf32>
    %transpose3A_242 = tpu.transpose %squeeze3A_241, [1, 0] : vector<128x128xf32> -> vector<128x128xf32>
    %reshape3A_243 = vector.shape_cast %transpose3A_242 : vector<128x128xf32> to vector<2x64x128xf32>
    %swap3A_244 = arith.constant 0 : index
    %swap3A_245 = arith.constant 0 : index
    %swap3A_246 = arith.constant 2 : index
    %swap3A_247 = arith.constant 0 : index
    %swap3A_248 = arith.constant 512 : index
    %swap3A_249 = vector.load %arg2[%swap3A_244, %swap3A_245, %swap3A_246, %swap3A_247, %swap3A_248] : memref<1x2x10x64x1024xf32, #tpu.memory_space<vmem>>, vector<1x2x1x64x128xf32>
    %swap3A_250 = vector.shape_cast %swap3A_249 : vector<1x2x1x64x128xf32> to vector<2x64x128xf32>
    %swap3A_251 = vector.shape_cast %reshape3A_243 : vector<2x64x128xf32> to vector<1x2x1x64x128xf32>
    tpu.vector_store %arg2[%swap3A_244, %swap3A_245, %swap3A_246, %swap3A_247, %swap3A_248], %swap3A_251 {strides = array<i32>} : memref<1x2x10x64x1024xf32, #tpu.memory_space<vmem>>, vector<1x2x1x64x128xf32>,
    %slice3A_252 = vector.extract_strided_slice %squeeze3A {offsets = [640, 2, 0], sizes = [128, 1, 128], strides = [1, 1, 1]} : vector<1024x10x128xf32> to vector<128x1x128xf32>
    %squeeze3A_253 = vector.shape_cast %slice3A_252 : vector<128x1x128xf32> to vector<128x128xf32>
    %transpose3A_254 = tpu.transpose %squeeze3A_253, [1, 0] : vector<128x128xf32> -> vector<128x128xf32>
    %reshape3A_255 = vector.shape_cast %transpose3A_254 : vector<128x128xf32> to vector<2x64x128xf32>
    %swap3A_256 = arith.constant 0 : index
    %swap3A_257 = arith.constant 0 : index
    %swap3A_258 = arith.constant 2 : index
    %swap3A_259 = arith.constant 0 : index
    %swap3A_260 = arith.constant 640 : index
    %swap3A_261 = vector.load %arg2[%swap3A_256, %swap3A_257, %swap3A_258, %swap3A_259, %swap3A_260] : memref<1x2x10x64x1024xf32, #tpu.memory_space<vmem>>, vector<1x2x1x64x128xf32>
    %swap3A_262 = vector.shape_cast %swap3A_261 : vector<1x2x1x64x128xf32> to vector<2x64x128xf32>
    %swap3A_263 = vector.shape_cast %reshape3A_255 : vector<2x64x128xf32> to vector<1x2x1x64x128xf32>
    tpu.vector_store %arg2[%swap3A_256, %swap3A_257, %swap3A_258, %swap3A_259, %swap3A_260], %swap3A_263 {strides = array<i32>} : memref<1x2x10x64x1024xf32, #tpu.memory_space<vmem>>, vector<1x2x1x64x128xf32>,
    %slice3A_264 = vector.extract_strided_slice %squeeze3A {offsets = [768, 2, 0], sizes = [128, 1, 128], strides = [1, 1, 1]} : vector<1024x10x128xf32> to vector<128x1x128xf32>
    %squeeze3A_265 = vector.shape_cast %slice3A_264 : vector<128x1x128xf32> to vector<128x128xf32>
    %transpose3A_266 = tpu.transpose %squeeze3A_265, [1, 0] : vector<128x128xf32> -> vector<128x128xf32>
    %reshape3A_267 = vector.shape_cast %transpose3A_266 : vector<128x128xf32> to vector<2x64x128xf32>
    %swap3A_268 = arith.constant 0 : index
    %swap3A_269 = arith.constant 0 : index
    %swap3A_270 = arith.constant 2 : index
    %swap3A_271 = arith.constant 0 : index
    %swap3A_272 = arith.constant 768 : index
    %swap3A_273 = vector.load %arg2[%swap3A_268, %swap3A_269, %swap3A_270, %swap3A_271, %swap3A_272] : memref<1x2x10x64x1024xf32, #tpu.memory_space<vmem>>, vector<1x2x1x64x128xf32>
    %swap3A_274 = vector.shape_cast %swap3A_273 : vector<1x2x1x64x128xf32> to vector<2x64x128xf32>
    %swap3A_275 = vector.shape_cast %reshape3A_267 : vector<2x64x128xf32> to vector<1x2x1x64x128xf32>
    tpu.vector_store %arg2[%swap3A_268, %swap3A_269, %swap3A_270, %swap3A_271, %swap3A_272], %swap3A_275 {strides = array<i32>} : memref<1x2x10x64x1024xf32, #tpu.memory_space<vmem>>, vector<1x2x1x64x128xf32>,
    %slice3A_276 = vector.extract_strided_slice %squeeze3A {offsets = [896, 2, 0], sizes = [128, 1, 128], strides = [1, 1, 1]} : vector<1024x10x128xf32> to vector<128x1x128xf32>
    %squeeze3A_277 = vector.shape_cast %slice3A_276 : vector<128x1x128xf32> to vector<128x128xf32>
    %transpose3A_278 = tpu.transpose %squeeze3A_277, [1, 0] : vector<128x128xf32> -> vector<128x128xf32>
    %reshape3A_279 = vector.shape_cast %transpose3A_278 : vector<128x128xf32> to vector<2x64x128xf32>
    %swap3A_280 = arith.constant 0 : index
    %swap3A_281 = arith.constant 0 : index
    %swap3A_282 = arith.constant 2 : index
    %swap3A_283 = arith.constant 0 : index
    %swap3A_284 = arith.constant 896 : index
    %swap3A_285 = vector.load %arg2[%swap3A_280, %swap3A_281, %swap3A_282, %swap3A_283, %swap3A_284] : memref<1x2x10x64x1024xf32, #tpu.memory_space<vmem>>, vector<1x2x1x64x128xf32>
    %swap3A_286 = vector.shape_cast %swap3A_285 : vector<1x2x1x64x128xf32> to vector<2x64x128xf32>
    %swap3A_287 = vector.shape_cast %reshape3A_279 : vector<2x64x128xf32> to vector<1x2x1x64x128xf32>
    tpu.vector_store %arg2[%swap3A_280, %swap3A_281, %swap3A_282, %swap3A_283, %swap3A_284], %swap3A_287 {strides = array<i32>} : memref<1x2x10x64x1024xf32, #tpu.memory_space<vmem>>, vector<1x2x1x64x128xf32>,
    %slice3A_288 = vector.extract_strided_slice %squeeze3A {offsets = [0, 3, 0], sizes = [128, 1, 128], strides = [1, 1, 1]} : vector<1024x10x128xf32> to vector<128x1x128xf32>
    %squeeze3A_289 = vector.shape_cast %slice3A_288 : vector<128x1x128xf32> to vector<128x128xf32>
    %transpose3A_290 = tpu.transpose %squeeze3A_289, [1, 0] : vector<128x128xf32> -> vector<128x128xf32>
    %reshape3A_291 = vector.shape_cast %transpose3A_290 : vector<128x128xf32> to vector<2x64x128xf32>
    %swap3A_292 = arith.constant 0 : index
    %swap3A_293 = arith.constant 0 : index
    %swap3A_294 = arith.constant 3 : index
    %swap3A_295 = arith.constant 0 : index
    %swap3A_296 = arith.constant 0 : index
    %swap3A_297 = vector.load %arg2[%swap3A_292, %swap3A_293, %swap3A_294, %swap3A_295, %swap3A_296] : memref<1x2x10x64x1024xf32, #tpu.memory_space<vmem>>, vector<1x2x1x64x128xf32>
    %swap3A_298 = vector.shape_cast %swap3A_297 : vector<1x2x1x64x128xf32> to vector<2x64x128xf32>
    %swap3A_299 = vector.shape_cast %reshape3A_291 : vector<2x64x128xf32> to vector<1x2x1x64x128xf32>
    tpu.vector_store %arg2[%swap3A_292, %swap3A_293, %swap3A_294, %swap3A_295, %swap3A_296], %swap3A_299 {strides = array<i32>} : memref<1x2x10x64x1024xf32, #tpu.memory_space<vmem>>, vector<1x2x1x64x128xf32>,
    %slice3A_300 = vector.extract_strided_slice %squeeze3A {offsets = [128, 3, 0], sizes = [128, 1, 128], strides = [1, 1, 1]} : vector<1024x10x128xf32> to vector<128x1x128xf32>
    %squeeze3A_301 = vector.shape_cast %slice3A_300 : vector<128x1x128xf32> to vector<128x128xf32>
    %transpose3A_302 = tpu.transpose %squeeze3A_301, [1, 0] : vector<128x128xf32> -> vector<128x128xf32>
    %reshape3A_303 = vector.shape_cast %transpose3A_302 : vector<128x128xf32> to vector<2x64x128xf32>
    %swap3A_304 = arith.constant 0 : index
    %swap3A_305 = arith.constant 0 : index
    %swap3A_306 = arith.constant 3 : index
    %swap3A_307 = arith.constant 0 : index
    %swap3A_308 = arith.constant 128 : index
    %swap3A_309 = vector.load %arg2[%swap3A_304, %swap3A_305, %swap3A_306, %swap3A_307, %swap3A_308] : memref<1x2x10x64x1024xf32, #tpu.memory_space<vmem>>, vector<1x2x1x64x128xf32>
    %swap3A_310 = vector.shape_cast %swap3A_309 : vector<1x2x1x64x128xf32> to vector<2x64x128xf32>
    %swap3A_311 = vector.shape_cast %reshape3A_303 : vector<2x64x128xf32> to vector<1x2x1x64x128xf32>
    tpu.vector_store %arg2[%swap3A_304, %swap3A_305, %swap3A_306, %swap3A_307, %swap3A_308], %swap3A_311 {strides = array<i32>} : memref<1x2x10x64x1024xf32, #tpu.memory_space<vmem>>, vector<1x2x1x64x128xf32>,
    %slice3A_312 = vector.extract_strided_slice %squeeze3A {offsets = [256, 3, 0], sizes = [128, 1, 128], strides = [1, 1, 1]} : vector<1024x10x128xf32> to vector<128x1x128xf32>
    %squeeze3A_313 = vector.shape_cast %slice3A_312 : vector<128x1x128xf32> to vector<128x128xf32>
    %transpose3A_314 = tpu.transpose %squeeze3A_313, [1, 0] : vector<128x128xf32> -> vector<128x128xf32>
    %reshape3A_315 = vector.shape_cast %transpose3A_314 : vector<128x128xf32> to vector<2x64x128xf32>
    %swap3A_316 = arith.constant 0 : index
    %swap3A_317 = arith.constant 0 : index
    %swap3A_318 = arith.constant 3 : index
    %swap3A_319 = arith.constant 0 : index
    %swap3A_320 = arith.constant 256 : index
    %swap3A_321 = vector.load %arg2[%swap3A_316, %swap3A_317, %swap3A_318, %swap3A_319, %swap3A_320] : memref<1x2x10x64x1024xf32, #tpu.memory_space<vmem>>, vector<1x2x1x64x128xf32>
    %swap3A_322 = vector.shape_cast %swap3A_321 : vector<1x2x1x64x128xf32> to vector<2x64x128xf32>
    %swap3A_323 = vector.shape_cast %reshape3A_315 : vector<2x64x128xf32> to vector<1x2x1x64x128xf32>
    tpu.vector_store %arg2[%swap3A_316, %swap3A_317, %swap3A_318, %swap3A_319, %swap3A_320], %swap3A_323 {strides = array<i32>} : memref<1x2x10x64x1024xf32, #tpu.memory_space<vmem>>, vector<1x2x1x64x128xf32>,
    %slice3A_324 = vector.extract_strided_slice %squeeze3A {offsets = [384, 3, 0], sizes = [128, 1, 128], strides = [1, 1, 1]} : vector<1024x10x128xf32> to vector<128x1x128xf32>
    %squeeze3A_325 = vector.shape_cast %slice3A_324 : vector<128x1x128xf32> to vector<128x128xf32>
    %transpose3A_326 = tpu.transpose %squeeze3A_325, [1, 0] : vector<128x128xf32> -> vector<128x128xf32>
    %reshape3A_327 = vector.shape_cast %transpose3A_326 : vector<128x128xf32> to vector<2x64x128xf32>
    %swap3A_328 = arith.constant 0 : index
    %swap3A_329 = arith.constant 0 : index
    %swap3A_330 = arith.constant 3 : index
    %swap3A_331 = arith.constant 0 : index
    %swap3A_332 = arith.constant 384 : index
    %swap3A_333 = vector.load %arg2[%swap3A_328, %swap3A_329, %swap3A_330, %swap3A_331, %swap3A_332] : memref<1x2x10x64x1024xf32, #tpu.memory_space<vmem>>, vector<1x2x1x64x128xf32>
    %swap3A_334 = vector.shape_cast %swap3A_333 : vector<1x2x1x64x128xf32> to vector<2x64x128xf32>
    %swap3A_335 = vector.shape_cast %reshape3A_327 : vector<2x64x128xf32> to vector<1x2x1x64x128xf32>
    tpu.vector_store %arg2[%swap3A_328, %swap3A_329, %swap3A_330, %swap3A_331, %swap3A_332], %swap3A_335 {strides = array<i32>} : memref<1x2x10x64x1024xf32, #tpu.memory_space<vmem>>, vector<1x2x1x64x128xf32>,
    %slice3A_336 = vector.extract_strided_slice %squeeze3A {offsets = [512, 3, 0], sizes = [128, 1, 128], strides = [1, 1, 1]} : vector<1024x10x128xf32> to vector<128x1x128xf32>
    %squeeze3A_337 = vector.shape_cast %slice3A_336 : vector<128x1x128xf32> to vector<128x128xf32>
    %transpose3A_338 = tpu.transpose %squeeze3A_337, [1, 0] : vector<128x128xf32> -> vector<128x128xf32>
    %reshape3A_339 = vector.shape_cast %transpose3A_338 : vector<128x128xf32> to vector<2x64x128xf32>
    %swap3A_340 = arith.constant 0 : index
    %swap3A_341 = arith.constant 0 : index
    %swap3A_342 = arith.constant 3 : index
    %swap3A_343 = arith.constant 0 : index
    %swap3A_344 = arith.constant 512 : index
    %swap3A_345 = vector.load %arg2[%swap3A_340, %swap3A_341, %swap3A_342, %swap3A_343, %swap3A_344] : memref<1x2x10x64x1024xf32, #tpu.memory_space<vmem>>, vector<1x2x1x64x128xf32>
    %swap3A_346 = vector.shape_cast %swap3A_345 : vector<1x2x1x64x128xf32> to vector<2x64x128xf32>
    %swap3A_347 = vector.shape_cast %reshape3A_339 : vector<2x64x128xf32> to vector<1x2x1x64x128xf32>
    tpu.vector_store %arg2[%swap3A_340, %swap3A_341, %swap3A_342, %swap3A_343, %swap3A_344], %swap3A_347 {strides = array<i32>} : memref<1x2x10x64x1024xf32, #tpu.memory_space<vmem>>, vector<1x2x1x64x128xf32>,
    %slice3A_348 = vector.extract_strided_slice %squeeze3A {offsets = [640, 3, 0], sizes = [128, 1, 128], strides = [1, 1, 1]} : vector<1024x10x128xf32> to vector<128x1x128xf32>
    %squeeze3A_349 = vector.shape_cast %slice3A_348 : vector<128x1x128xf32> to vector<128x128xf32>
    %transpose3A_350 = tpu.transpose %squeeze3A_349, [1, 0] : vector<128x128xf32> -> vector<128x128xf32>
    %reshape3A_351 = vector.shape_cast %transpose3A_350 : vector<128x128xf32> to vector<2x64x128xf32>
    %swap3A_352 = arith.constant 0 : index
    %swap3A_353 = arith.constant 0 : index
    %swap3A_354 = arith.constant 3 : index
    %swap3A_355 = arith.constant 0 : index
    %swap3A_356 = arith.constant 640 : index
    %swap3A_357 = vector.load %arg2[%swap3A_352, %swap3A_353, %swap3A_354, %swap3A_355, %swap3A_356] : memref<1x2x10x64x1024xf32, #tpu.memory_space<vmem>>, vector<1x2x1x64x128xf32>
    %swap3A_358 = vector.shape_cast %swap3A_357 : vector<1x2x1x64x128xf32> to vector<2x64x128xf32>
    %swap3A_359 = vector.shape_cast %reshape3A_351 : vector<2x64x128xf32> to vector<1x2x1x64x128xf32>
    tpu.vector_store %arg2[%swap3A_352, %swap3A_353, %swap3A_354, %swap3A_355, %swap3A_356], %swap3A_359 {strides = array<i32>} : memref<1x2x10x64x1024xf32, #tpu.memory_space<vmem>>, vector<1x2x1x64x128xf32>,
    %slice3A_360 = vector.extract_strided_slice %squeeze3A {offsets = [768, 3, 0], sizes = [128, 1, 128], strides = [1, 1, 1]} : vector<1024x10x128xf32> to vector<128x1x128xf32>
    %squeeze3A_361 = vector.shape_cast %slice3A_360 : vector<128x1x128xf32> to vector<128x128xf32>
    %transpose3A_362 = tpu.transpose %squeeze3A_361, [1, 0] : vector<128x128xf32> -> vector<128x128xf32>
    %reshape3A_363 = vector.shape_cast %transpose3A_362 : vector<128x128xf32> to vector<2x64x128xf32>
    %swap3A_364 = arith.constant 0 : index
    %swap3A_365 = arith.constant 0 : index
    %swap3A_366 = arith.constant 3 : index
    %swap3A_367 = arith.constant 0 : index
    %swap3A_368 = arith.constant 768 : index
    %swap3A_369 = vector.load %arg2[%swap3A_364, %swap3A_365, %swap3A_366, %swap3A_367, %swap3A_368] : memref<1x2x10x64x1024xf32, #tpu.memory_space<vmem>>, vector<1x2x1x64x128xf32>
    %swap3A_370 = vector.shape_cast %swap3A_369 : vector<1x2x1x64x128xf32> to vector<2x64x128xf32>
    %swap3A_371 = vector.shape_cast %reshape3A_363 : vector<2x64x128xf32> to vector<1x2x1x64x128xf32>
    tpu.vector_store %arg2[%swap3A_364, %swap3A_365, %swap3A_366, %swap3A_367, %swap3A_368], %swap3A_371 {strides = array<i32>} : memref<1x2x10x64x1024xf32, #tpu.memory_space<vmem>>, vector<1x2x1x64x128xf32>,
    %slice3A_372 = vector.extract_strided_slice %squeeze3A {offsets = [896, 3, 0], sizes = [128, 1, 128], strides = [1, 1, 1]} : vector<1024x10x128xf32> to vector<128x1x128xf32>
    %squeeze3A_373 = vector.shape_cast %slice3A_372 : vector<128x1x128xf32> to vector<128x128xf32>
    %transpose3A_374 = tpu.transpose %squeeze3A_373, [1, 0] : vector<128x128xf32> -> vector<128x128xf32>
    %reshape3A_375 = vector.shape_cast %transpose3A_374 : vector<128x128xf32> to vector<2x64x128xf32>
    %swap3A_376 = arith.constant 0 : index
    %swap3A_377 = arith.constant 0 : index
    %swap3A_378 = arith.constant 3 : index
    %swap3A_379 = arith.constant 0 : index
    %swap3A_380 = arith.constant 896 : index
    %swap3A_381 = vector.load %arg2[%swap3A_376, %swap3A_377, %swap3A_378, %swap3A_379, %swap3A_380] : memref<1x2x10x64x1024xf32, #tpu.memory_space<vmem>>, vector<1x2x1x64x128xf32>
    %swap3A_382 = vector.shape_cast %swap3A_381 : vector<1x2x1x64x128xf32> to vector<2x64x128xf32>
    %swap3A_383 = vector.shape_cast %reshape3A_375 : vector<2x64x128xf32> to vector<1x2x1x64x128xf32>
    tpu.vector_store %arg2[%swap3A_376, %swap3A_377, %swap3A_378, %swap3A_379, %swap3A_380], %swap3A_383 {strides = array<i32>} : memref<1x2x10x64x1024xf32, #tpu.memory_space<vmem>>, vector<1x2x1x64x128xf32>,
    %slice3A_384 = vector.extract_strided_slice %squeeze3A {offsets = [0, 4, 0], sizes = [128, 1, 128], strides = [1, 1, 1]} : vector<1024x10x128xf32> to vector<128x1x128xf32>
    %squeeze3A_385 = vector.shape_cast %slice3A_384 : vector<128x1x128xf32> to vector<128x128xf32>
    %transpose3A_386 = tpu.transpose %squeeze3A_385, [1, 0] : vector<128x128xf32> -> vector<128x128xf32>
    %reshape3A_387 = vector.shape_cast %transpose3A_386 : vector<128x128xf32> to vector<2x64x128xf32>
    %swap3A_388 = arith.constant 0 : index
    %swap3A_389 = arith.constant 0 : index
    %swap3A_390 = arith.constant 4 : index
    %swap3A_391 = arith.constant 0 : index
    %swap3A_392 = arith.constant 0 : index
    %swap3A_393 = vector.load %arg2[%swap3A_388, %swap3A_389, %swap3A_390, %swap3A_391, %swap3A_392] : memref<1x2x10x64x1024xf32, #tpu.memory_space<vmem>>, vector<1x2x1x64x128xf32>
    %swap3A_394 = vector.shape_cast %swap3A_393 : vector<1x2x1x64x128xf32> to vector<2x64x128xf32>
    %swap3A_395 = vector.shape_cast %reshape3A_387 : vector<2x64x128xf32> to vector<1x2x1x64x128xf32>
    tpu.vector_store %arg2[%swap3A_388, %swap3A_389, %swap3A_390, %swap3A_391, %swap3A_392], %swap3A_395 {strides = array<i32>} : memref<1x2x10x64x1024xf32, #tpu.memory_space<vmem>>, vector<1x2x1x64x128xf32>,
    %slice3A_396 = vector.extract_strided_slice %squeeze3A {offsets = [128, 4, 0], sizes = [128, 1, 128], strides = [1, 1, 1]} : vector<1024x10x128xf32> to vector<128x1x128xf32>
    %squeeze3A_397 = vector.shape_cast %slice3A_396 : vector<128x1x128xf32> to vector<128x128xf32>
    %transpose3A_398 = tpu.transpose %squeeze3A_397, [1, 0] : vector<128x128xf32> -> vector<128x128xf32>
    %reshape3A_399 = vector.shape_cast %transpose3A_398 : vector<128x128xf32> to vector<2x64x128xf32>
    %swap3A_400 = arith.constant 0 : index
    %swap3A_401 = arith.constant 0 : index
    %swap3A_402 = arith.constant 4 : index
    %swap3A_403 = arith.constant 0 : index
    %swap3A_404 = arith.constant 128 : index
    %swap3A_405 = vector.load %arg2[%swap3A_400, %swap3A_401, %swap3A_402, %swap3A_403, %swap3A_404] : memref<1x2x10x64x1024xf32, #tpu.memory_space<vmem>>, vector<1x2x1x64x128xf32>
    %swap3A_406 = vector.shape_cast %swap3A_405 : vector<1x2x1x64x128xf32> to vector<2x64x128xf32>
    %swap3A_407 = vector.shape_cast %reshape3A_399 : vector<2x64x128xf32> to vector<1x2x1x64x128xf32>
    tpu.vector_store %arg2[%swap3A_400, %swap3A_401, %swap3A_402, %swap3A_403, %swap3A_404], %swap3A_407 {strides = array<i32>} : memref<1x2x10x64x1024xf32, #tpu.memory_space<vmem>>, vector<1x2x1x64x128xf32>,
    %slice3A_408 = vector.extract_strided_slice %squeeze3A {offsets = [256, 4, 0], sizes = [128, 1, 128], strides = [1, 1, 1]} : vector<1024x10x128xf32> to vector<128x1x128xf32>
    %squeeze3A_409 = vector.shape_cast %slice3A_408 : vector<128x1x128xf32> to vector<128x128xf32>
    %transpose3A_410 = tpu.transpose %squeeze3A_409, [1, 0] : vector<128x128xf32> -> vector<128x128xf32>
    %reshape3A_411 = vector.shape_cast %transpose3A_410 : vector<128x128xf32> to vector<2x64x128xf32>
    %swap3A_412 = arith.constant 0 : index
    %swap3A_413 = arith.constant 0 : index
    %swap3A_414 = arith.constant 4 : index
    %swap3A_415 = arith.constant 0 : index
    %swap3A_416 = arith.constant 256 : index
    %swap3A_417 = vector.load %arg2[%swap3A_412, %swap3A_413, %swap3A_414, %swap3A_415, %swap3A_416] : memref<1x2x10x64x1024xf32, #tpu.memory_space<vmem>>, vector<1x2x1x64x128xf32>
    %swap3A_418 = vector.shape_cast %swap3A_417 : vector<1x2x1x64x128xf32> to vector<2x64x128xf32>
    %swap3A_419 = vector.shape_cast %reshape3A_411 : vector<2x64x128xf32> to vector<1x2x1x64x128xf32>
    tpu.vector_store %arg2[%swap3A_412, %swap3A_413, %swap3A_414, %swap3A_415, %swap3A_416], %swap3A_419 {strides = array<i32>} : memref<1x2x10x64x1024xf32, #tpu.memory_space<vmem>>, vector<1x2x1x64x128xf32>,
    %slice3A_420 = vector.extract_strided_slice %squeeze3A {offsets = [384, 4, 0], sizes = [128, 1, 128], strides = [1, 1, 1]} : vector<1024x10x128xf32> to vector<128x1x128xf32>
    %squeeze3A_421 = vector.shape_cast %slice3A_420 : vector<128x1x128xf32> to vector<128x128xf32>
    %transpose3A_422 = tpu.transpose %squeeze3A_421, [1, 0] : vector<128x128xf32> -> vector<128x128xf32>
    %reshape3A_423 = vector.shape_cast %transpose3A_422 : vector<128x128xf32> to vector<2x64x128xf32>
    %swap3A_424 = arith.constant 0 : index
    %swap3A_425 = arith.constant 0 : index
    %swap3A_426 = arith.constant 4 : index
    %swap3A_427 = arith.constant 0 : index
    %swap3A_428 = arith.constant 384 : index
    %swap3A_429 = vector.load %arg2[%swap3A_424, %swap3A_425, %swap3A_426, %swap3A_427, %swap3A_428] : memref<1x2x10x64x1024xf32, #tpu.memory_space<vmem>>, vector<1x2x1x64x128xf32>
    %swap3A_430 = vector.shape_cast %swap3A_429 : vector<1x2x1x64x128xf32> to vector<2x64x128xf32>
    %swap3A_431 = vector.shape_cast %reshape3A_423 : vector<2x64x128xf32> to vector<1x2x1x64x128xf32>
    tpu.vector_store %arg2[%swap3A_424, %swap3A_425, %swap3A_426, %swap3A_427, %swap3A_428], %swap3A_431 {strides = array<i32>} : memref<1x2x10x64x1024xf32, #tpu.memory_space<vmem>>, vector<1x2x1x64x128xf32>,
    %slice3A_432 = vector.extract_strided_slice %squeeze3A {offsets = [512, 4, 0], sizes = [128, 1, 128], strides = [1, 1, 1]} : vector<1024x10x128xf32> to vector<128x1x128xf32>
    %squeeze3A_433 = vector.shape_cast %slice3A_432 : vector<128x1x128xf32> to vector<128x128xf32>
    %transpose3A_434 = tpu.transpose %squeeze3A_433, [1, 0] : vector<128x128xf32> -> vector<128x128xf32>
    %reshape3A_435 = vector.shape_cast %transpose3A_434 : vector<128x128xf32> to vector<2x64x128xf32>
    %swap3A_436 = arith.constant 0 : index
    %swap3A_437 = arith.constant 0 : index
    %swap3A_438 = arith.constant 4 : index
    %swap3A_439 = arith.constant 0 : index
    %swap3A_440 = arith.constant 512 : index
    %swap3A_441 = vector.load %arg2[%swap3A_436, %swap3A_437, %swap3A_438, %swap3A_439, %swap3A_440] : memref<1x2x10x64x1024xf32, #tpu.memory_space<vmem>>, vector<1x2x1x64x128xf32>
    %swap3A_442 = vector.shape_cast %swap3A_441 : vector<1x2x1x64x128xf32> to vector<2x64x128xf32>
    %swap3A_443 = vector.shape_cast %reshape3A_435 : vector<2x64x128xf32> to vector<1x2x1x64x128xf32>
    tpu.vector_store %arg2[%swap3A_436, %swap3A_437, %swap3A_438, %swap3A_439, %swap3A_440], %swap3A_443 {strides = array<i32>} : memref<1x2x10x64x1024xf32, #tpu.memory_space<vmem>>, vector<1x2x1x64x128xf32>,
    %slice3A_444 = vector.extract_strided_slice %squeeze3A {offsets = [640, 4, 0], sizes = [128, 1, 128], strides = [1, 1, 1]} : vector<1024x10x128xf32> to vector<128x1x128xf32>
    %squeeze3A_445 = vector.shape_cast %slice3A_444 : vector<128x1x128xf32> to vector<128x128xf32>
    %transpose3A_446 = tpu.transpose %squeeze3A_445, [1, 0] : vector<128x128xf32> -> vector<128x128xf32>
    %reshape3A_447 = vector.shape_cast %transpose3A_446 : vector<128x128xf32> to vector<2x64x128xf32>
    %swap3A_448 = arith.constant 0 : index
    %swap3A_449 = arith.constant 0 : index
    %swap3A_450 = arith.constant 4 : index
    %swap3A_451 = arith.constant 0 : index
    %swap3A_452 = arith.constant 640 : index
    %swap3A_453 = vector.load %arg2[%swap3A_448, %swap3A_449, %swap3A_450, %swap3A_451, %swap3A_452] : memref<1x2x10x64x1024xf32, #tpu.memory_space<vmem>>, vector<1x2x1x64x128xf32>
    %swap3A_454 = vector.shape_cast %swap3A_453 : vector<1x2x1x64x128xf32> to vector<2x64x128xf32>
    %swap3A_455 = vector.shape_cast %reshape3A_447 : vector<2x64x128xf32> to vector<1x2x1x64x128xf32>
    tpu.vector_store %arg2[%swap3A_448, %swap3A_449, %swap3A_450, %swap3A_451, %swap3A_452], %swap3A_455 {strides = array<i32>} : memref<1x2x10x64x1024xf32, #tpu.memory_space<vmem>>, vector<1x2x1x64x128xf32>,
    %slice3A_456 = vector.extract_strided_slice %squeeze3A {offsets = [768, 4, 0], sizes = [128, 1, 128], strides = [1, 1, 1]} : vector<1024x10x128xf32> to vector<128x1x128xf32>
    %squeeze3A_457 = vector.shape_cast %slice3A_456 : vector<128x1x128xf32> to vector<128x128xf32>
    %transpose3A_458 = tpu.transpose %squeeze3A_457, [1, 0] : vector<128x128xf32> -> vector<128x128xf32>
    %reshape3A_459 = vector.shape_cast %transpose3A_458 : vector<128x128xf32> to vector<2x64x128xf32>
    %swap3A_460 = arith.constant 0 : index
    %swap3A_461 = arith.constant 0 : index
    %swap3A_462 = arith.constant 4 : index
    %swap3A_463 = arith.constant 0 : index
    %swap3A_464 = arith.constant 768 : index
    %swap3A_465 = vector.load %arg2[%swap3A_460, %swap3A_461, %swap3A_462, %swap3A_463, %swap3A_464] : memref<1x2x10x64x1024xf32, #tpu.memory_space<vmem>>, vector<1x2x1x64x128xf32>
    %swap3A_466 = vector.shape_cast %swap3A_465 : vector<1x2x1x64x128xf32> to vector<2x64x128xf32>
    %swap3A_467 = vector.shape_cast %reshape3A_459 : vector<2x64x128xf32> to vector<1x2x1x64x128xf32>
    tpu.vector_store %arg2[%swap3A_460, %swap3A_461, %swap3A_462, %swap3A_463, %swap3A_464], %swap3A_467 {strides = array<i32>} : memref<1x2x10x64x1024xf32, #tpu.memory_space<vmem>>, vector<1x2x1x64x128xf32>,
    %slice3A_468 = vector.extract_strided_slice %squeeze3A {offsets = [896, 4, 0], sizes = [128, 1, 128], strides = [1, 1, 1]} : vector<1024x10x128xf32> to vector<128x1x128xf32>
    %squeeze3A_469 = vector.shape_cast %slice3A_468 : vector<128x1x128xf32> to vector<128x128xf32>
    %transpose3A_470 = tpu.transpose %squeeze3A_469, [1, 0] : vector<128x128xf32> -> vector<128x128xf32>
    %reshape3A_471 = vector.shape_cast %transpose3A_470 : vector<128x128xf32> to vector<2x64x128xf32>
    %swap3A_472 = arith.constant 0 : index
    %swap3A_473 = arith.constant 0 : index
    %swap3A_474 = arith.constant 4 : index
    %swap3A_475 = arith.constant 0 : index
    %swap3A_476 = arith.constant 896 : index
    %swap3A_477 = vector.load %arg2[%swap3A_472, %swap3A_473, %swap3A_474, %swap3A_475, %swap3A_476] : memref<1x2x10x64x1024xf32, #tpu.memory_space<vmem>>, vector<1x2x1x64x128xf32>
    %swap3A_478 = vector.shape_cast %swap3A_477 : vector<1x2x1x64x128xf32> to vector<2x64x128xf32>
    %swap3A_479 = vector.shape_cast %reshape3A_471 : vector<2x64x128xf32> to vector<1x2x1x64x128xf32>
    tpu.vector_store %arg2[%swap3A_472, %swap3A_473, %swap3A_474, %swap3A_475, %swap3A_476], %swap3A_479 {strides = array<i32>} : memref<1x2x10x64x1024xf32, #tpu.memory_space<vmem>>, vector<1x2x1x64x128xf32>,
    %slice3A_480 = vector.extract_strided_slice %squeeze3A {offsets = [0, 5, 0], sizes = [128, 1, 128], strides = [1, 1, 1]} : vector<1024x10x128xf32> to vector<128x1x128xf32>
    %squeeze3A_481 = vector.shape_cast %slice3A_480 : vector<128x1x128xf32> to vector<128x128xf32>
    %transpose3A_482 = tpu.transpose %squeeze3A_481, [1, 0] : vector<128x128xf32> -> vector<128x128xf32>
    %reshape3A_483 = vector.shape_cast %transpose3A_482 : vector<128x128xf32> to vector<2x64x128xf32>
    %swap3A_484 = arith.constant 0 : index
    %swap3A_485 = arith.constant 0 : index
    %swap3A_486 = arith.constant 5 : index
    %swap3A_487 = arith.constant 0 : index
    %swap3A_488 = arith.constant 0 : index
    %swap3A_489 = vector.load %arg2[%swap3A_484, %swap3A_485, %swap3A_486, %swap3A_487, %swap3A_488] : memref<1x2x10x64x1024xf32, #tpu.memory_space<vmem>>, vector<1x2x1x64x128xf32>
    %swap3A_490 = vector.shape_cast %swap3A_489 : vector<1x2x1x64x128xf32> to vector<2x64x128xf32>
    %swap3A_491 = vector.shape_cast %reshape3A_483 : vector<2x64x128xf32> to vector<1x2x1x64x128xf32>
    tpu.vector_store %arg2[%swap3A_484, %swap3A_485, %swap3A_486, %swap3A_487, %swap3A_488], %swap3A_491 {strides = array<i32>} : memref<1x2x10x64x1024xf32, #tpu.memory_space<vmem>>, vector<1x2x1x64x128xf32>,
    %slice3A_492 = vector.extract_strided_slice %squeeze3A {offsets = [128, 5, 0], sizes = [128, 1, 128], strides = [1, 1, 1]} : vector<1024x10x128xf32> to vector<128x1x128xf32>
    %squeeze3A_493 = vector.shape_cast %slice3A_492 : vector<128x1x128xf32> to vector<128x128xf32>
    %transpose3A_494 = tpu.transpose %squeeze3A_493, [1, 0] : vector<128x128xf32> -> vector<128x128xf32>
    %reshape3A_495 = vector.shape_cast %transpose3A_494 : vector<128x128xf32> to vector<2x64x128xf32>
    %swap3A_496 = arith.constant 0 : index
    %swap3A_497 = arith.constant 0 : index
    %swap3A_498 = arith.constant 5 : index
    %swap3A_499 = arith.constant 0 : index
    %swap3A_500 = arith.constant 128 : index
    %swap3A_501 = vector.load %arg2[%swap3A_496, %swap3A_497, %swap3A_498, %swap3A_499, %swap3A_500] : memref<1x2x10x64x1024xf32, #tpu.memory_space<vmem>>, vector<1x2x1x64x128xf32>
    %swap3A_502 = vector.shape_cast %swap3A_501 : vector<1x2x1x64x128xf32> to vector<2x64x128xf32>
    %swap3A_503 = vector.shape_cast %reshape3A_495 : vector<2x64x128xf32> to vector<1x2x1x64x128xf32>
    tpu.vector_store %arg2[%swap3A_496, %swap3A_497, %swap3A_498, %swap3A_499, %swap3A_500], %swap3A_503 {strides = array<i32>} : memref<1x2x10x64x1024xf32, #tpu.memory_space<vmem>>, vector<1x2x1x64x128xf32>,
    %slice3A_504 = vector.extract_strided_slice %squeeze3A {offsets = [256, 5, 0], sizes = [128, 1, 128], strides = [1, 1, 1]} : vector<1024x10x128xf32> to vector<128x1x128xf32>
    %squeeze3A_505 = vector.shape_cast %slice3A_504 : vector<128x1x128xf32> to vector<128x128xf32>
    %transpose3A_506 = tpu.transpose %squeeze3A_505, [1, 0] : vector<128x128xf32> -> vector<128x128xf32>
    %reshape3A_507 = vector.shape_cast %transpose3A_506 : vector<128x128xf32> to vector<2x64x128xf32>
    %swap3A_508 = arith.constant 0 : index
    %swap3A_509 = arith.constant 0 : index
    %swap3A_510 = arith.constant 5 : index
    %swap3A_511 = arith.constant 0 : index
    %swap3A_512 = arith.constant 256 : index
    %swap3A_513 = vector.load %arg2[%swap3A_508, %swap3A_509, %swap3A_510, %swap3A_511, %swap3A_512] : memref<1x2x10x64x1024xf32, #tpu.memory_space<vmem>>, vector<1x2x1x64x128xf32>
    %swap3A_514 = vector.shape_cast %swap3A_513 : vector<1x2x1x64x128xf32> to vector<2x64x128xf32>
    %swap3A_515 = vector.shape_cast %reshape3A_507 : vector<2x64x128xf32> to vector<1x2x1x64x128xf32>
    tpu.vector_store %arg2[%swap3A_508, %swap3A_509, %swap3A_510, %swap3A_511, %swap3A_512], %swap3A_515 {strides = array<i32>} : memref<1x2x10x64x1024xf32, #tpu.memory_space<vmem>>, vector<1x2x1x64x128xf32>,
    %slice3A_516 = vector.extract_strided_slice %squeeze3A {offsets = [384, 5, 0], sizes = [128, 1, 128], strides = [1, 1, 1]} : vector<1024x10x128xf32> to vector<128x1x128xf32>
    %squeeze3A_517 = vector.shape_cast %slice3A_516 : vector<128x1x128xf32> to vector<128x128xf32>
    %transpose3A_518 = tpu.transpose %squeeze3A_517, [1, 0] : vector<128x128xf32> -> vector<128x128xf32>
    %reshape3A_519 = vector.shape_cast %transpose3A_518 : vector<128x128xf32> to vector<2x64x128xf32>
    %swap3A_520 = arith.constant 0 : index
    %swap3A_521 = arith.constant 0 : index
    %swap3A_522 = arith.constant 5 : index
    %swap3A_523 = arith.constant 0 : index
    %swap3A_524 = arith.constant 384 : index
    %swap3A_525 = vector.load %arg2[%swap3A_520, %swap3A_521, %swap3A_522, %swap3A_523, %swap3A_524] : memref<1x2x10x64x1024xf32, #tpu.memory_space<vmem>>, vector<1x2x1x64x128xf32>
    %swap3A_526 = vector.shape_cast %swap3A_525 : vector<1x2x1x64x128xf32> to vector<2x64x128xf32>
    %swap3A_527 = vector.shape_cast %reshape3A_519 : vector<2x64x128xf32> to vector<1x2x1x64x128xf32>
    tpu.vector_store %arg2[%swap3A_520, %swap3A_521, %swap3A_522, %swap3A_523, %swap3A_524], %swap3A_527 {strides = array<i32>} : memref<1x2x10x64x1024xf32, #tpu.memory_space<vmem>>, vector<1x2x1x64x128xf32>,
    %slice3A_528 = vector.extract_strided_slice %squeeze3A {offsets = [512, 5, 0], sizes = [128, 1, 128], strides = [1, 1, 1]} : vector<1024x10x128xf32> to vector<128x1x128xf32>
    %squeeze3A_529 = vector.shape_cast %slice3A_528 : vector<128x1x128xf32> to vector<128x128xf32>
    %transpose3A_530 = tpu.transpose %squeeze3A_529, [1, 0] : vector<128x128xf32> -> vector<128x128xf32>
    %reshape3A_531 = vector.shape_cast %transpose3A_530 : vector<128x128xf32> to vector<2x64x128xf32>
    %swap3A_532 = arith.constant 0 : index
    %swap3A_533 = arith.constant 0 : index
    %swap3A_534 = arith.constant 5 : index
    %swap3A_535 = arith.constant 0 : index
    %swap3A_536 = arith.constant 512 : index
    %swap3A_537 = vector.load %arg2[%swap3A_532, %swap3A_533, %swap3A_534, %swap3A_535, %swap3A_536] : memref<1x2x10x64x1024xf32, #tpu.memory_space<vmem>>, vector<1x2x1x64x128xf32>
    %swap3A_538 = vector.shape_cast %swap3A_537 : vector<1x2x1x64x128xf32> to vector<2x64x128xf32>
    %swap3A_539 = vector.shape_cast %reshape3A_531 : vector<2x64x128xf32> to vector<1x2x1x64x128xf32>
    tpu.vector_store %arg2[%swap3A_532, %swap3A_533, %swap3A_534, %swap3A_535, %swap3A_536], %swap3A_539 {strides = array<i32>} : memref<1x2x10x64x1024xf32, #tpu.memory_space<vmem>>, vector<1x2x1x64x128xf32>,
    %slice3A_540 = vector.extract_strided_slice %squeeze3A {offsets = [640, 5, 0], sizes = [128, 1, 128], strides = [1, 1, 1]} : vector<1024x10x128xf32> to vector<128x1x128xf32>
    %squeeze3A_541 = vector.shape_cast %slice3A_540 : vector<128x1x128xf32> to vector<128x128xf32>
    %transpose3A_542 = tpu.transpose %squeeze3A_541, [1, 0] : vector<128x128xf32> -> vector<128x128xf32>
    %reshape3A_543 = vector.shape_cast %transpose3A_542 : vector<128x128xf32> to vector<2x64x128xf32>
    %swap3A_544 = arith.constant 0 : index
    %swap3A_545 = arith.constant 0 : index
    %swap3A_546 = arith.constant 5 : index
    %swap3A_547 = arith.constant 0 : index
    %swap3A_548 = arith.constant 640 : index
    %swap3A_549 = vector.load %arg2[%swap3A_544, %swap3A_545, %swap3A_546, %swap3A_547, %swap3A_548] : memref<1x2x10x64x1024xf32, #tpu.memory_space<vmem>>, vector<1x2x1x64x128xf32>
    %swap3A_550 = vector.shape_cast %swap3A_549 : vector<1x2x1x64x128xf32> to vector<2x64x128xf32>
    %swap3A_551 = vector.shape_cast %reshape3A_543 : vector<2x64x128xf32> to vector<1x2x1x64x128xf32>
    tpu.vector_store %arg2[%swap3A_544, %swap3A_545, %swap3A_546, %swap3A_547, %swap3A_548], %swap3A_551 {strides = array<i32>} : memref<1x2x10x64x1024xf32, #tpu.memory_space<vmem>>, vector<1x2x1x64x128xf32>,
    %slice3A_552 = vector.extract_strided_slice %squeeze3A {offsets = [768, 5, 0], sizes = [128, 1, 128], strides = [1, 1, 1]} : vector<1024x10x128xf32> to vector<128x1x128xf32>
    %squeeze3A_553 = vector.shape_cast %slice3A_552 : vector<128x1x128xf32> to vector<128x128xf32>
    %transpose3A_554 = tpu.transpose %squeeze3A_553, [1, 0] : vector<128x128xf32> -> vector<128x128xf32>
    %reshape3A_555 = vector.shape_cast %transpose3A_554 : vector<128x128xf32> to vector<2x64x128xf32>
    %swap3A_556 = arith.constant 0 : index
    %swap3A_557 = arith.constant 0 : index
    %swap3A_558 = arith.constant 5 : index
    %swap3A_559 = arith.constant 0 : index
    %swap3A_560 = arith.constant 768 : index
    %swap3A_561 = vector.load %arg2[%swap3A_556, %swap3A_557, %swap3A_558, %swap3A_559, %swap3A_560] : memref<1x2x10x64x1024xf32, #tpu.memory_space<vmem>>, vector<1x2x1x64x128xf32>
    %swap3A_562 = vector.shape_cast %swap3A_561 : vector<1x2x1x64x128xf32> to vector<2x64x128xf32>
    %swap3A_563 = vector.shape_cast %reshape3A_555 : vector<2x64x128xf32> to vector<1x2x1x64x128xf32>
    tpu.vector_store %arg2[%swap3A_556, %swap3A_557, %swap3A_558, %swap3A_559, %swap3A_560], %swap3A_563 {strides = array<i32>} : memref<1x2x10x64x1024xf32, #tpu.memory_space<vmem>>, vector<1x2x1x64x128xf32>,
    %slice3A_564 = vector.extract_strided_slice %squeeze3A {offsets = [896, 5, 0], sizes = [128, 1, 128], strides = [1, 1, 1]} : vector<1024x10x128xf32> to vector<128x1x128xf32>
    %squeeze3A_565 = vector.shape_cast %slice3A_564 : vector<128x1x128xf32> to vector<128x128xf32>
    %transpose3A_566 = tpu.transpose %squeeze3A_565, [1, 0] : vector<128x128xf32> -> vector<128x128xf32>
    %reshape3A_567 = vector.shape_cast %transpose3A_566 : vector<128x128xf32> to vector<2x64x128xf32>
    %swap3A_568 = arith.constant 0 : index
    %swap3A_569 = arith.constant 0 : index
    %swap3A_570 = arith.constant 5 : index
    %swap3A_571 = arith.constant 0 : index
    %swap3A_572 = arith.constant 896 : index
    %swap3A_573 = vector.load %arg2[%swap3A_568, %swap3A_569, %swap3A_570, %swap3A_571, %swap3A_572] : memref<1x2x10x64x1024xf32, #tpu.memory_space<vmem>>, vector<1x2x1x64x128xf32>
    %swap3A_574 = vector.shape_cast %swap3A_573 : vector<1x2x1x64x128xf32> to vector<2x64x128xf32>
    %swap3A_575 = vector.shape_cast %reshape3A_567 : vector<2x64x128xf32> to vector<1x2x1x64x128xf32>
    tpu.vector_store %arg2[%swap3A_568, %swap3A_569, %swap3A_570, %swap3A_571, %swap3A_572], %swap3A_575 {strides = array<i32>} : memref<1x2x10x64x1024xf32, #tpu.memory_space<vmem>>, vector<1x2x1x64x128xf32>,
    %slice3A_576 = vector.extract_strided_slice %squeeze3A {offsets = [0, 6, 0], sizes = [128, 1, 128], strides = [1, 1, 1]} : vector<1024x10x128xf32> to vector<128x1x128xf32>
    %squeeze3A_577 = vector.shape_cast %slice3A_576 : vector<128x1x128xf32> to vector<128x128xf32>
    %transpose3A_578 = tpu.transpose %squeeze3A_577, [1, 0] : vector<128x128xf32> -> vector<128x128xf32>
    %reshape3A_579 = vector.shape_cast %transpose3A_578 : vector<128x128xf32> to vector<2x64x128xf32>
    %swap3A_580 = arith.constant 0 : index
    %swap3A_581 = arith.constant 0 : index
    %swap3A_582 = arith.constant 6 : index
    %swap3A_583 = arith.constant 0 : index
    %swap3A_584 = arith.constant 0 : index
    %swap3A_585 = vector.load %arg2[%swap3A_580, %swap3A_581, %swap3A_582, %swap3A_583, %swap3A_584] : memref<1x2x10x64x1024xf32, #tpu.memory_space<vmem>>, vector<1x2x1x64x128xf32>
    %swap3A_586 = vector.shape_cast %swap3A_585 : vector<1x2x1x64x128xf32> to vector<2x64x128xf32>
    %swap3A_587 = vector.shape_cast %reshape3A_579 : vector<2x64x128xf32> to vector<1x2x1x64x128xf32>
    tpu.vector_store %arg2[%swap3A_580, %swap3A_581, %swap3A_582, %swap3A_583, %swap3A_584], %swap3A_587 {strides = array<i32>} : memref<1x2x10x64x1024xf32, #tpu.memory_space<vmem>>, vector<1x2x1x64x128xf32>,
    %slice3A_588 = vector.extract_strided_slice %squeeze3A {offsets = [128, 6, 0], sizes = [128, 1, 128], strides = [1, 1, 1]} : vector<1024x10x128xf32> to vector<128x1x128xf32>
    %squeeze3A_589 = vector.shape_cast %slice3A_588 : vector<128x1x128xf32> to vector<128x128xf32>
    %transpose3A_590 = tpu.transpose %squeeze3A_589, [1, 0] : vector<128x128xf32> -> vector<128x128xf32>
    %reshape3A_591 = vector.shape_cast %transpose3A_590 : vector<128x128xf32> to vector<2x64x128xf32>
    %swap3A_592 = arith.constant 0 : index
    %swap3A_593 = arith.constant 0 : index
    %swap3A_594 = arith.constant 6 : index
    %swap3A_595 = arith.constant 0 : index
    %swap3A_596 = arith.constant 128 : index
    %swap3A_597 = vector.load %arg2[%swap3A_592, %swap3A_593, %swap3A_594, %swap3A_595, %swap3A_596] : memref<1x2x10x64x1024xf32, #tpu.memory_space<vmem>>, vector<1x2x1x64x128xf32>
    %swap3A_598 = vector.shape_cast %swap3A_597 : vector<1x2x1x64x128xf32> to vector<2x64x128xf32>
    %swap3A_599 = vector.shape_cast %reshape3A_591 : vector<2x64x128xf32> to vector<1x2x1x64x128xf32>
    tpu.vector_store %arg2[%swap3A_592, %swap3A_593, %swap3A_594, %swap3A_595, %swap3A_596], %swap3A_599 {strides = array<i32>} : memref<1x2x10x64x1024xf32, #tpu.memory_space<vmem>>, vector<1x2x1x64x128xf32>,
    %slice3A_600 = vector.extract_strided_slice %squeeze3A {offsets = [256, 6, 0], sizes = [128, 1, 128], strides = [1, 1, 1]} : vector<1024x10x128xf32> to vector<128x1x128xf32>
    %squeeze3A_601 = vector.shape_cast %slice3A_600 : vector<128x1x128xf32> to vector<128x128xf32>
    %transpose3A_602 = tpu.transpose %squeeze3A_601, [1, 0] : vector<128x128xf32> -> vector<128x128xf32>
    %reshape3A_603 = vector.shape_cast %transpose3A_602 : vector<128x128xf32> to vector<2x64x128xf32>
    %swap3A_604 = arith.constant 0 : index
    %swap3A_605 = arith.constant 0 : index
    %swap3A_606 = arith.constant 6 : index
    %swap3A_607 = arith.constant 0 : index
    %swap3A_608 = arith.constant 256 : index
    %swap3A_609 = vector.load %arg2[%swap3A_604, %swap3A_605, %swap3A_606, %swap3A_607, %swap3A_608] : memref<1x2x10x64x1024xf32, #tpu.memory_space<vmem>>, vector<1x2x1x64x128xf32>
    %swap3A_610 = vector.shape_cast %swap3A_609 : vector<1x2x1x64x128xf32> to vector<2x64x128xf32>
    %swap3A_611 = vector.shape_cast %reshape3A_603 : vector<2x64x128xf32> to vector<1x2x1x64x128xf32>
    tpu.vector_store %arg2[%swap3A_604, %swap3A_605, %swap3A_606, %swap3A_607, %swap3A_608], %swap3A_611 {strides = array<i32>} : memref<1x2x10x64x1024xf32, #tpu.memory_space<vmem>>, vector<1x2x1x64x128xf32>,
    %slice3A_612 = vector.extract_strided_slice %squeeze3A {offsets = [384, 6, 0], sizes = [128, 1, 128], strides = [1, 1, 1]} : vector<1024x10x128xf32> to vector<128x1x128xf32>
    %squeeze3A_613 = vector.shape_cast %slice3A_612 : vector<128x1x128xf32> to vector<128x128xf32>
    %transpose3A_614 = tpu.transpose %squeeze3A_613, [1, 0] : vector<128x128xf32> -> vector<128x128xf32>
    %reshape3A_615 = vector.shape_cast %transpose3A_614 : vector<128x128xf32> to vector<2x64x128xf32>
    %swap3A_616 = arith.constant 0 : index
    %swap3A_617 = arith.constant 0 : index
    %swap3A_618 = arith.constant 6 : index
    %swap3A_619 = arith.constant 0 : index
    %swap3A_620 = arith.constant 384 : index
    %swap3A_621 = vector.load %arg2[%swap3A_616, %swap3A_617, %swap3A_618, %swap3A_619, %swap3A_620] : memref<1x2x10x64x1024xf32, #tpu.memory_space<vmem>>, vector<1x2x1x64x128xf32>
    %swap3A_622 = vector.shape_cast %swap3A_621 : vector<1x2x1x64x128xf32> to vector<2x64x128xf32>
    %swap3A_623 = vector.shape_cast %reshape3A_615 : vector<2x64x128xf32> to vector<1x2x1x64x128xf32>
    tpu.vector_store %arg2[%swap3A_616, %swap3A_617, %swap3A_618, %swap3A_619, %swap3A_620], %swap3A_623 {strides = array<i32>} : memref<1x2x10x64x1024xf32, #tpu.memory_space<vmem>>, vector<1x2x1x64x128xf32>,
    %slice3A_624 = vector.extract_strided_slice %squeeze3A {offsets = [512, 6, 0], sizes = [128, 1, 128], strides = [1, 1, 1]} : vector<1024x10x128xf32> to vector<128x1x128xf32>
    %squeeze3A_625 = vector.shape_cast %slice3A_624 : vector<128x1x128xf32> to vector<128x128xf32>
    %transpose3A_626 = tpu.transpose %squeeze3A_625, [1, 0] : vector<128x128xf32> -> vector<128x128xf32>
    %reshape3A_627 = vector.shape_cast %transpose3A_626 : vector<128x128xf32> to vector<2x64x128xf32>
    %swap3A_628 = arith.constant 0 : index
    %swap3A_629 = arith.constant 0 : index
    %swap3A_630 = arith.constant 6 : index
    %swap3A_631 = arith.constant 0 : index
    %swap3A_632 = arith.constant 512 : index
    %swap3A_633 = vector.load %arg2[%swap3A_628, %swap3A_629, %swap3A_630, %swap3A_631, %swap3A_632] : memref<1x2x10x64x1024xf32, #tpu.memory_space<vmem>>, vector<1x2x1x64x128xf32>
    %swap3A_634 = vector.shape_cast %swap3A_633 : vector<1x2x1x64x128xf32> to vector<2x64x128xf32>
    %swap3A_635 = vector.shape_cast %reshape3A_627 : vector<2x64x128xf32> to vector<1x2x1x64x128xf32>
    tpu.vector_store %arg2[%swap3A_628, %swap3A_629, %swap3A_630, %swap3A_631, %swap3A_632], %swap3A_635 {strides = array<i32>} : memref<1x2x10x64x1024xf32, #tpu.memory_space<vmem>>, vector<1x2x1x64x128xf32>,
    %slice3A_636 = vector.extract_strided_slice %squeeze3A {offsets = [640, 6, 0], sizes = [128, 1, 128], strides = [1, 1, 1]} : vector<1024x10x128xf32> to vector<128x1x128xf32>
    %squeeze3A_637 = vector.shape_cast %slice3A_636 : vector<128x1x128xf32> to vector<128x128xf32>
    %transpose3A_638 = tpu.transpose %squeeze3A_637, [1, 0] : vector<128x128xf32> -> vector<128x128xf32>
    %reshape3A_639 = vector.shape_cast %transpose3A_638 : vector<128x128xf32> to vector<2x64x128xf32>
    %swap3A_640 = arith.constant 0 : index
    %swap3A_641 = arith.constant 0 : index
    %swap3A_642 = arith.constant 6 : index
    %swap3A_643 = arith.constant 0 : index
    %swap3A_644 = arith.constant 640 : index
    %swap3A_645 = vector.load %arg2[%swap3A_640, %swap3A_641, %swap3A_642, %swap3A_643, %swap3A_644] : memref<1x2x10x64x1024xf32, #tpu.memory_space<vmem>>, vector<1x2x1x64x128xf32>
    %swap3A_646 = vector.shape_cast %swap3A_645 : vector<1x2x1x64x128xf32> to vector<2x64x128xf32>
    %swap3A_647 = vector.shape_cast %reshape3A_639 : vector<2x64x128xf32> to vector<1x2x1x64x128xf32>
    tpu.vector_store %arg2[%swap3A_640, %swap3A_641, %swap3A_642, %swap3A_643, %swap3A_644], %swap3A_647 {strides = array<i32>} : memref<1x2x10x64x1024xf32, #tpu.memory_space<vmem>>, vector<1x2x1x64x128xf32>,
    %slice3A_648 = vector.extract_strided_slice %squeeze3A {offsets = [768, 6, 0], sizes = [128, 1, 128], strides = [1, 1, 1]} : vector<1024x10x128xf32> to vector<128x1x128xf32>
    %squeeze3A_649 = vector.shape_cast %slice3A_648 : vector<128x1x128xf32> to vector<128x128xf32>
    %transpose3A_650 = tpu.transpose %squeeze3A_649, [1, 0] : vector<128x128xf32> -> vector<128x128xf32>
    %reshape3A_651 = vector.shape_cast %transpose3A_650 : vector<128x128xf32> to vector<2x64x128xf32>
    %swap3A_652 = arith.constant 0 : index
    %swap3A_653 = arith.constant 0 : index
    %swap3A_654 = arith.constant 6 : index
    %swap3A_655 = arith.constant 0 : index
    %swap3A_656 = arith.constant 768 : index
    %swap3A_657 = vector.load %arg2[%swap3A_652, %swap3A_653, %swap3A_654, %swap3A_655, %swap3A_656] : memref<1x2x10x64x1024xf32, #tpu.memory_space<vmem>>, vector<1x2x1x64x128xf32>
    %swap3A_658 = vector.shape_cast %swap3A_657 : vector<1x2x1x64x128xf32> to vector<2x64x128xf32>
    %swap3A_659 = vector.shape_cast %reshape3A_651 : vector<2x64x128xf32> to vector<1x2x1x64x128xf32>
    tpu.vector_store %arg2[%swap3A_652, %swap3A_653, %swap3A_654, %swap3A_655, %swap3A_656], %swap3A_659 {strides = array<i32>} : memref<1x2x10x64x1024xf32, #tpu.memory_space<vmem>>, vector<1x2x1x64x128xf32>,
    %slice3A_660 = vector.extract_strided_slice %squeeze3A {offsets = [896, 6, 0], sizes = [128, 1, 128], strides = [1, 1, 1]} : vector<1024x10x128xf32> to vector<128x1x128xf32>
    %squeeze3A_661 = vector.shape_cast %slice3A_660 : vector<128x1x128xf32> to vector<128x128xf32>
    %transpose3A_662 = tpu.transpose %squeeze3A_661, [1, 0] : vector<128x128xf32> -> vector<128x128xf32>
    %reshape3A_663 = vector.shape_cast %transpose3A_662 : vector<128x128xf32> to vector<2x64x128xf32>
    %swap3A_664 = arith.constant 0 : index
    %swap3A_665 = arith.constant 0 : index
    %swap3A_666 = arith.constant 6 : index
    %swap3A_667 = arith.constant 0 : index
    %swap3A_668 = arith.constant 896 : index
    %swap3A_669 = vector.load %arg2[%swap3A_664, %swap3A_665, %swap3A_666, %swap3A_667, %swap3A_668] : memref<1x2x10x64x1024xf32, #tpu.memory_space<vmem>>, vector<1x2x1x64x128xf32>
    %swap3A_670 = vector.shape_cast %swap3A_669 : vector<1x2x1x64x128xf32> to vector<2x64x128xf32>
    %swap3A_671 = vector.shape_cast %reshape3A_663 : vector<2x64x128xf32> to vector<1x2x1x64x128xf32>
    tpu.vector_store %arg2[%swap3A_664, %swap3A_665, %swap3A_666, %swap3A_667, %swap3A_668], %swap3A_671 {strides = array<i32>} : memref<1x2x10x64x1024xf32, #tpu.memory_space<vmem>>, vector<1x2x1x64x128xf32>,
    %slice3A_672 = vector.extract_strided_slice %squeeze3A {offsets = [0, 7, 0], sizes = [128, 1, 128], strides = [1, 1, 1]} : vector<1024x10x128xf32> to vector<128x1x128xf32>
    %squeeze3A_673 = vector.shape_cast %slice3A_672 : vector<128x1x128xf32> to vector<128x128xf32>
    %transpose3A_674 = tpu.transpose %squeeze3A_673, [1, 0] : vector<128x128xf32> -> vector<128x128xf32>
    %reshape3A_675 = vector.shape_cast %transpose3A_674 : vector<128x128xf32> to vector<2x64x128xf32>
    %swap3A_676 = arith.constant 0 : index
    %swap3A_677 = arith.constant 0 : index
    %swap3A_678 = arith.constant 7 : index
    %swap3A_679 = arith.constant 0 : index
    %swap3A_680 = arith.constant 0 : index
    %swap3A_681 = vector.load %arg2[%swap3A_676, %swap3A_677, %swap3A_678, %swap3A_679, %swap3A_680] : memref<1x2x10x64x1024xf32, #tpu.memory_space<vmem>>, vector<1x2x1x64x128xf32>
    %swap3A_682 = vector.shape_cast %swap3A_681 : vector<1x2x1x64x128xf32> to vector<2x64x128xf32>
    %swap3A_683 = vector.shape_cast %reshape3A_675 : vector<2x64x128xf32> to vector<1x2x1x64x128xf32>
    tpu.vector_store %arg2[%swap3A_676, %swap3A_677, %swap3A_678, %swap3A_679, %swap3A_680], %swap3A_683 {strides = array<i32>} : memref<1x2x10x64x1024xf32, #tpu.memory_space<vmem>>, vector<1x2x1x64x128xf32>,
    %slice3A_684 = vector.extract_strided_slice %squeeze3A {offsets = [128, 7, 0], sizes = [128, 1, 128], strides = [1, 1, 1]} : vector<1024x10x128xf32> to vector<128x1x128xf32>
    %squeeze3A_685 = vector.shape_cast %slice3A_684 : vector<128x1x128xf32> to vector<128x128xf32>
    %transpose3A_686 = tpu.transpose %squeeze3A_685, [1, 0] : vector<128x128xf32> -> vector<128x128xf32>
    %reshape3A_687 = vector.shape_cast %transpose3A_686 : vector<128x128xf32> to vector<2x64x128xf32>
    %swap3A_688 = arith.constant 0 : index
    %swap3A_689 = arith.constant 0 : index
    %swap3A_690 = arith.constant 7 : index
    %swap3A_691 = arith.constant 0 : index
    %swap3A_692 = arith.constant 128 : index
    %swap3A_693 = vector.load %arg2[%swap3A_688, %swap3A_689, %swap3A_690, %swap3A_691, %swap3A_692] : memref<1x2x10x64x1024xf32, #tpu.memory_space<vmem>>, vector<1x2x1x64x128xf32>
    %swap3A_694 = vector.shape_cast %swap3A_693 : vector<1x2x1x64x128xf32> to vector<2x64x128xf32>
    %swap3A_695 = vector.shape_cast %reshape3A_687 : vector<2x64x128xf32> to vector<1x2x1x64x128xf32>
    tpu.vector_store %arg2[%swap3A_688, %swap3A_689, %swap3A_690, %swap3A_691, %swap3A_692], %swap3A_695 {strides = array<i32>} : memref<1x2x10x64x1024xf32, #tpu.memory_space<vmem>>, vector<1x2x1x64x128xf32>,
    %slice3A_696 = vector.extract_strided_slice %squeeze3A {offsets = [256, 7, 0], sizes = [128, 1, 128], strides = [1, 1, 1]} : vector<1024x10x128xf32> to vector<128x1x128xf32>
    %squeeze3A_697 = vector.shape_cast %slice3A_696 : vector<128x1x128xf32> to vector<128x128xf32>
    %transpose3A_698 = tpu.transpose %squeeze3A_697, [1, 0] : vector<128x128xf32> -> vector<128x128xf32>
    %reshape3A_699 = vector.shape_cast %transpose3A_698 : vector<128x128xf32> to vector<2x64x128xf32>
    %swap3A_700 = arith.constant 0 : index
    %swap3A_701 = arith.constant 0 : index
    %swap3A_702 = arith.constant 7 : index
    %swap3A_703 = arith.constant 0 : index
    %swap3A_704 = arith.constant 256 : index
    %swap3A_705 = vector.load %arg2[%swap3A_700, %swap3A_701, %swap3A_702, %swap3A_703, %swap3A_704] : memref<1x2x10x64x1024xf32, #tpu.memory_space<vmem>>, vector<1x2x1x64x128xf32>
    %swap3A_706 = vector.shape_cast %swap3A_705 : vector<1x2x1x64x128xf32> to vector<2x64x128xf32>
    %swap3A_707 = vector.shape_cast %reshape3A_699 : vector<2x64x128xf32> to vector<1x2x1x64x128xf32>
    tpu.vector_store %arg2[%swap3A_700, %swap3A_701, %swap3A_702, %swap3A_703, %swap3A_704], %swap3A_707 {strides = array<i32>} : memref<1x2x10x64x1024xf32, #tpu.memory_space<vmem>>, vector<1x2x1x64x128xf32>,
    %slice3A_708 = vector.extract_strided_slice %squeeze3A {offsets = [384, 7, 0], sizes = [128, 1, 128], strides = [1, 1, 1]} : vector<1024x10x128xf32> to vector<128x1x128xf32>
    %squeeze3A_709 = vector.shape_cast %slice3A_708 : vector<128x1x128xf32> to vector<128x128xf32>
    %transpose3A_710 = tpu.transpose %squeeze3A_709, [1, 0] : vector<128x128xf32> -> vector<128x128xf32>
    %reshape3A_711 = vector.shape_cast %transpose3A_710 : vector<128x128xf32> to vector<2x64x128xf32>
    %swap3A_712 = arith.constant 0 : index
    %swap3A_713 = arith.constant 0 : index
    %swap3A_714 = arith.constant 7 : index
    %swap3A_715 = arith.constant 0 : index
    %swap3A_716 = arith.constant 384 : index
    %swap3A_717 = vector.load %arg2[%swap3A_712, %swap3A_713, %swap3A_714, %swap3A_715, %swap3A_716] : memref<1x2x10x64x1024xf32, #tpu.memory_space<vmem>>, vector<1x2x1x64x128xf32>
    %swap3A_718 = vector.shape_cast %swap3A_717 : vector<1x2x1x64x128xf32> to vector<2x64x128xf32>
    %swap3A_719 = vector.shape_cast %reshape3A_711 : vector<2x64x128xf32> to vector<1x2x1x64x128xf32>
    tpu.vector_store %arg2[%swap3A_712, %swap3A_713, %swap3A_714, %swap3A_715, %swap3A_716], %swap3A_719 {strides = array<i32>} : memref<1x2x10x64x1024xf32, #tpu.memory_space<vmem>>, vector<1x2x1x64x128xf32>,
    %slice3A_720 = vector.extract_strided_slice %squeeze3A {offsets = [512, 7, 0], sizes = [128, 1, 128], strides = [1, 1, 1]} : vector<1024x10x128xf32> to vector<128x1x128xf32>
    %squeeze3A_721 = vector.shape_cast %slice3A_720 : vector<128x1x128xf32> to vector<128x128xf32>
    %transpose3A_722 = tpu.transpose %squeeze3A_721, [1, 0] : vector<128x128xf32> -> vector<128x128xf32>
    %reshape3A_723 = vector.shape_cast %transpose3A_722 : vector<128x128xf32> to vector<2x64x128xf32>
    %swap3A_724 = arith.constant 0 : index
    %swap3A_725 = arith.constant 0 : index
    %swap3A_726 = arith.constant 7 : index
    %swap3A_727 = arith.constant 0 : index
    %swap3A_728 = arith.constant 512 : index
    %swap3A_729 = vector.load %arg2[%swap3A_724, %swap3A_725, %swap3A_726, %swap3A_727, %swap3A_728] : memref<1x2x10x64x1024xf32, #tpu.memory_space<vmem>>, vector<1x2x1x64x128xf32>
    %swap3A_730 = vector.shape_cast %swap3A_729 : vector<1x2x1x64x128xf32> to vector<2x64x128xf32>
    %swap3A_731 = vector.shape_cast %reshape3A_723 : vector<2x64x128xf32> to vector<1x2x1x64x128xf32>
    tpu.vector_store %arg2[%swap3A_724, %swap3A_725, %swap3A_726, %swap3A_727, %swap3A_728], %swap3A_731 {strides = array<i32>} : memref<1x2x10x64x1024xf32, #tpu.memory_space<vmem>>, vector<1x2x1x64x128xf32>,
    %slice3A_732 = vector.extract_strided_slice %squeeze3A {offsets = [640, 7, 0], sizes = [128, 1, 128], strides = [1, 1, 1]} : vector<1024x10x128xf32> to vector<128x1x128xf32>
    %squeeze3A_733 = vector.shape_cast %slice3A_732 : vector<128x1x128xf32> to vector<128x128xf32>
    %transpose3A_734 = tpu.transpose %squeeze3A_733, [1, 0] : vector<128x128xf32> -> vector<128x128xf32>
    %reshape3A_735 = vector.shape_cast %transpose3A_734 : vector<128x128xf32> to vector<2x64x128xf32>
    %swap3A_736 = arith.constant 0 : index
    %swap3A_737 = arith.constant 0 : index
    %swap3A_738 = arith.constant 7 : index
    %swap3A_739 = arith.constant 0 : index
    %swap3A_740 = arith.constant 640 : index
    %swap3A_741 = vector.load %arg2[%swap3A_736, %swap3A_737, %swap3A_738, %swap3A_739, %swap3A_740] : memref<1x2x10x64x1024xf32, #tpu.memory_space<vmem>>, vector<1x2x1x64x128xf32>
    %swap3A_742 = vector.shape_cast %swap3A_741 : vector<1x2x1x64x128xf32> to vector<2x64x128xf32>
    %swap3A_743 = vector.shape_cast %reshape3A_735 : vector<2x64x128xf32> to vector<1x2x1x64x128xf32>
    tpu.vector_store %arg2[%swap3A_736, %swap3A_737, %swap3A_738, %swap3A_739, %swap3A_740], %swap3A_743 {strides = array<i32>} : memref<1x2x10x64x1024xf32, #tpu.memory_space<vmem>>, vector<1x2x1x64x128xf32>,
    %slice3A_744 = vector.extract_strided_slice %squeeze3A {offsets = [768, 7, 0], sizes = [128, 1, 128], strides = [1, 1, 1]} : vector<1024x10x128xf32> to vector<128x1x128xf32>
    %squeeze3A_745 = vector.shape_cast %slice3A_744 : vector<128x1x128xf32> to vector<128x128xf32>
    %transpose3A_746 = tpu.transpose %squeeze3A_745, [1, 0] : vector<128x128xf32> -> vector<128x128xf32>
    %reshape3A_747 = vector.shape_cast %transpose3A_746 : vector<128x128xf32> to vector<2x64x128xf32>
    %swap3A_748 = arith.constant 0 : index
    %swap3A_749 = arith.constant 0 : index
    %swap3A_750 = arith.constant 7 : index
    %swap3A_751 = arith.constant 0 : index
    %swap3A_752 = arith.constant 768 : index
    %swap3A_753 = vector.load %arg2[%swap3A_748, %swap3A_749, %swap3A_750, %swap3A_751, %swap3A_752] : memref<1x2x10x64x1024xf32, #tpu.memory_space<vmem>>, vector<1x2x1x64x128xf32>
    %swap3A_754 = vector.shape_cast %swap3A_753 : vector<1x2x1x64x128xf32> to vector<2x64x128xf32>
    %swap3A_755 = vector.shape_cast %reshape3A_747 : vector<2x64x128xf32> to vector<1x2x1x64x128xf32>
    tpu.vector_store %arg2[%swap3A_748, %swap3A_749, %swap3A_750, %swap3A_751, %swap3A_752], %swap3A_755 {strides = array<i32>} : memref<1x2x10x64x1024xf32, #tpu.memory_space<vmem>>, vector<1x2x1x64x128xf32>,
    %slice3A_756 = vector.extract_strided_slice %squeeze3A {offsets = [896, 7, 0], sizes = [128, 1, 128], strides = [1, 1, 1]} : vector<1024x10x128xf32> to vector<128x1x128xf32>
    %squeeze3A_757 = vector.shape_cast %slice3A_756 : vector<128x1x128xf32> to vector<128x128xf32>
    %transpose3A_758 = tpu.transpose %squeeze3A_757, [1, 0] : vector<128x128xf32> -> vector<128x128xf32>
    %reshape3A_759 = vector.shape_cast %transpose3A_758 : vector<128x128xf32> to vector<2x64x128xf32>
    %swap3A_760 = arith.constant 0 : index
    %swap3A_761 = arith.constant 0 : index
    %swap3A_762 = arith.constant 7 : index
    %swap3A_763 = arith.constant 0 : index
    %swap3A_764 = arith.constant 896 : index
    %swap3A_765 = vector.load %arg2[%swap3A_760, %swap3A_761, %swap3A_762, %swap3A_763, %swap3A_764] : memref<1x2x10x64x1024xf32, #tpu.memory_space<vmem>>, vector<1x2x1x64x128xf32>
    %swap3A_766 = vector.shape_cast %swap3A_765 : vector<1x2x1x64x128xf32> to vector<2x64x128xf32>
    %swap3A_767 = vector.shape_cast %reshape3A_759 : vector<2x64x128xf32> to vector<1x2x1x64x128xf32>
    tpu.vector_store %arg2[%swap3A_760, %swap3A_761, %swap3A_762, %swap3A_763, %swap3A_764], %swap3A_767 {strides = array<i32>} : memref<1x2x10x64x1024xf32, #tpu.memory_space<vmem>>, vector<1x2x1x64x128xf32>,
    %slice3A_768 = vector.extract_strided_slice %squeeze3A {offsets = [0, 8, 0], sizes = [128, 1, 128], strides = [1, 1, 1]} : vector<1024x10x128xf32> to vector<128x1x128xf32>
    %squeeze3A_769 = vector.shape_cast %slice3A_768 : vector<128x1x128xf32> to vector<128x128xf32>
    %transpose3A_770 = tpu.transpose %squeeze3A_769, [1, 0] : vector<128x128xf32> -> vector<128x128xf32>
    %reshape3A_771 = vector.shape_cast %transpose3A_770 : vector<128x128xf32> to vector<2x64x128xf32>
    %swap3A_772 = arith.constant 0 : index
    %swap3A_773 = arith.constant 0 : index
    %swap3A_774 = arith.constant 8 : index
    %swap3A_775 = arith.constant 0 : index
    %swap3A_776 = arith.constant 0 : index
    %swap3A_777 = vector.load %arg2[%swap3A_772, %swap3A_773, %swap3A_774, %swap3A_775, %swap3A_776] : memref<1x2x10x64x1024xf32, #tpu.memory_space<vmem>>, vector<1x2x1x64x128xf32>
    %swap3A_778 = vector.shape_cast %swap3A_777 : vector<1x2x1x64x128xf32> to vector<2x64x128xf32>
    %swap3A_779 = vector.shape_cast %reshape3A_771 : vector<2x64x128xf32> to vector<1x2x1x64x128xf32>
    tpu.vector_store %arg2[%swap3A_772, %swap3A_773, %swap3A_774, %swap3A_775, %swap3A_776], %swap3A_779 {strides = array<i32>} : memref<1x2x10x64x1024xf32, #tpu.memory_space<vmem>>, vector<1x2x1x64x128xf32>,
    %slice3A_780 = vector.extract_strided_slice %squeeze3A {offsets = [128, 8, 0], sizes = [128, 1, 128], strides = [1, 1, 1]} : vector<1024x10x128xf32> to vector<128x1x128xf32>
    %squeeze3A_781 = vector.shape_cast %slice3A_780 : vector<128x1x128xf32> to vector<128x128xf32>
    %transpose3A_782 = tpu.transpose %squeeze3A_781, [1, 0] : vector<128x128xf32> -> vector<128x128xf32>
    %reshape3A_783 = vector.shape_cast %transpose3A_782 : vector<128x128xf32> to vector<2x64x128xf32>
    %swap3A_784 = arith.constant 0 : index
    %swap3A_785 = arith.constant 0 : index
    %swap3A_786 = arith.constant 8 : index
    %swap3A_787 = arith.constant 0 : index
    %swap3A_788 = arith.constant 128 : index
    %swap3A_789 = vector.load %arg2[%swap3A_784, %swap3A_785, %swap3A_786, %swap3A_787, %swap3A_788] : memref<1x2x10x64x1024xf32, #tpu.memory_space<vmem>>, vector<1x2x1x64x128xf32>
    %swap3A_790 = vector.shape_cast %swap3A_789 : vector<1x2x1x64x128xf32> to vector<2x64x128xf32>
    %swap3A_791 = vector.shape_cast %reshape3A_783 : vector<2x64x128xf32> to vector<1x2x1x64x128xf32>
    tpu.vector_store %arg2[%swap3A_784, %swap3A_785, %swap3A_786, %swap3A_787, %swap3A_788], %swap3A_791 {strides = array<i32>} : memref<1x2x10x64x1024xf32, #tpu.memory_space<vmem>>, vector<1x2x1x64x128xf32>,
    %slice3A_792 = vector.extract_strided_slice %squeeze3A {offsets = [256, 8, 0], sizes = [128, 1, 128], strides = [1, 1, 1]} : vector<1024x10x128xf32> to vector<128x1x128xf32>
    %squeeze3A_793 = vector.shape_cast %slice3A_792 : vector<128x1x128xf32> to vector<128x128xf32>
    %transpose3A_794 = tpu.transpose %squeeze3A_793, [1, 0] : vector<128x128xf32> -> vector<128x128xf32>
    %reshape3A_795 = vector.shape_cast %transpose3A_794 : vector<128x128xf32> to vector<2x64x128xf32>
    %swap3A_796 = arith.constant 0 : index
    %swap3A_797 = arith.constant 0 : index
    %swap3A_798 = arith.constant 8 : index
    %swap3A_799 = arith.constant 0 : index
    %swap3A_800 = arith.constant 256 : index
    %swap3A_801 = vector.load %arg2[%swap3A_796, %swap3A_797, %swap3A_798, %swap3A_799, %swap3A_800] : memref<1x2x10x64x1024xf32, #tpu.memory_space<vmem>>, vector<1x2x1x64x128xf32>
    %swap3A_802 = vector.shape_cast %swap3A_801 : vector<1x2x1x64x128xf32> to vector<2x64x128xf32>
    %swap3A_803 = vector.shape_cast %reshape3A_795 : vector<2x64x128xf32> to vector<1x2x1x64x128xf32>
    tpu.vector_store %arg2[%swap3A_796, %swap3A_797, %swap3A_798, %swap3A_799, %swap3A_800], %swap3A_803 {strides = array<i32>} : memref<1x2x10x64x1024xf32, #tpu.memory_space<vmem>>, vector<1x2x1x64x128xf32>,
    %slice3A_804 = vector.extract_strided_slice %squeeze3A {offsets = [384, 8, 0], sizes = [128, 1, 128], strides = [1, 1, 1]} : vector<1024x10x128xf32> to vector<128x1x128xf32>
    %squeeze3A_805 = vector.shape_cast %slice3A_804 : vector<128x1x128xf32> to vector<128x128xf32>
    %transpose3A_806 = tpu.transpose %squeeze3A_805, [1, 0] : vector<128x128xf32> -> vector<128x128xf32>
    %reshape3A_807 = vector.shape_cast %transpose3A_806 : vector<128x128xf32> to vector<2x64x128xf32>
    %swap3A_808 = arith.constant 0 : index
    %swap3A_809 = arith.constant 0 : index
    %swap3A_810 = arith.constant 8 : index
    %swap3A_811 = arith.constant 0 : index
    %swap3A_812 = arith.constant 384 : index
    %swap3A_813 = vector.load %arg2[%swap3A_808, %swap3A_809, %swap3A_810, %swap3A_811, %swap3A_812] : memref<1x2x10x64x1024xf32, #tpu.memory_space<vmem>>, vector<1x2x1x64x128xf32>
    %swap3A_814 = vector.shape_cast %swap3A_813 : vector<1x2x1x64x128xf32> to vector<2x64x128xf32>
    %swap3A_815 = vector.shape_cast %reshape3A_807 : vector<2x64x128xf32> to vector<1x2x1x64x128xf32>
    tpu.vector_store %arg2[%swap3A_808, %swap3A_809, %swap3A_810, %swap3A_811, %swap3A_812], %swap3A_815 {strides = array<i32>} : memref<1x2x10x64x1024xf32, #tpu.memory_space<vmem>>, vector<1x2x1x64x128xf32>,
    %slice3A_816 = vector.extract_strided_slice %squeeze3A {offsets = [512, 8, 0], sizes = [128, 1, 128], strides = [1, 1, 1]} : vector<1024x10x128xf32> to vector<128x1x128xf32>
    %squeeze3A_817 = vector.shape_cast %slice3A_816 : vector<128x1x128xf32> to vector<128x128xf32>
    %transpose3A_818 = tpu.transpose %squeeze3A_817, [1, 0] : vector<128x128xf32> -> vector<128x128xf32>
    %reshape3A_819 = vector.shape_cast %transpose3A_818 : vector<128x128xf32> to vector<2x64x128xf32>
    %swap3A_820 = arith.constant 0 : index
    %swap3A_821 = arith.constant 0 : index
    %swap3A_822 = arith.constant 8 : index
    %swap3A_823 = arith.constant 0 : index
    %swap3A_824 = arith.constant 512 : index
    %swap3A_825 = vector.load %arg2[%swap3A_820, %swap3A_821, %swap3A_822, %swap3A_823, %swap3A_824] : memref<1x2x10x64x1024xf32, #tpu.memory_space<vmem>>, vector<1x2x1x64x128xf32>
    %swap3A_826 = vector.shape_cast %swap3A_825 : vector<1x2x1x64x128xf32> to vector<2x64x128xf32>
    %swap3A_827 = vector.shape_cast %reshape3A_819 : vector<2x64x128xf32> to vector<1x2x1x64x128xf32>
    tpu.vector_store %arg2[%swap3A_820, %swap3A_821, %swap3A_822, %swap3A_823, %swap3A_824], %swap3A_827 {strides = array<i32>} : memref<1x2x10x64x1024xf32, #tpu.memory_space<vmem>>, vector<1x2x1x64x128xf32>,
    %slice3A_828 = vector.extract_strided_slice %squeeze3A {offsets = [640, 8, 0], sizes = [128, 1, 128], strides = [1, 1, 1]} : vector<1024x10x128xf32> to vector<128x1x128xf32>
    %squeeze3A_829 = vector.shape_cast %slice3A_828 : vector<128x1x128xf32> to vector<128x128xf32>
    %transpose3A_830 = tpu.transpose %squeeze3A_829, [1, 0] : vector<128x128xf32> -> vector<128x128xf32>
    %reshape3A_831 = vector.shape_cast %transpose3A_830 : vector<128x128xf32> to vector<2x64x128xf32>
    %swap3A_832 = arith.constant 0 : index
    %swap3A_833 = arith.constant 0 : index
    %swap3A_834 = arith.constant 8 : index
    %swap3A_835 = arith.constant 0 : index
    %swap3A_836 = arith.constant 640 : index
    %swap3A_837 = vector.load %arg2[%swap3A_832, %swap3A_833, %swap3A_834, %swap3A_835, %swap3A_836] : memref<1x2x10x64x1024xf32, #tpu.memory_space<vmem>>, vector<1x2x1x64x128xf32>
    %swap3A_838 = vector.shape_cast %swap3A_837 : vector<1x2x1x64x128xf32> to vector<2x64x128xf32>
    %swap3A_839 = vector.shape_cast %reshape3A_831 : vector<2x64x128xf32> to vector<1x2x1x64x128xf32>
    tpu.vector_store %arg2[%swap3A_832, %swap3A_833, %swap3A_834, %swap3A_835, %swap3A_836], %swap3A_839 {strides = array<i32>} : memref<1x2x10x64x1024xf32, #tpu.memory_space<vmem>>, vector<1x2x1x64x128xf32>,
    %slice3A_840 = vector.extract_strided_slice %squeeze3A {offsets = [768, 8, 0], sizes = [128, 1, 128], strides = [1, 1, 1]} : vector<1024x10x128xf32> to vector<128x1x128xf32>
    %squeeze3A_841 = vector.shape_cast %slice3A_840 : vector<128x1x128xf32> to vector<128x128xf32>
    %transpose3A_842 = tpu.transpose %squeeze3A_841, [1, 0] : vector<128x128xf32> -> vector<128x128xf32>
    %reshape3A_843 = vector.shape_cast %transpose3A_842 : vector<128x128xf32> to vector<2x64x128xf32>
    %swap3A_844 = arith.constant 0 : index
    %swap3A_845 = arith.constant 0 : index
    %swap3A_846 = arith.constant 8 : index
    %swap3A_847 = arith.constant 0 : index
    %swap3A_848 = arith.constant 768 : index
    %swap3A_849 = vector.load %arg2[%swap3A_844, %swap3A_845, %swap3A_846, %swap3A_847, %swap3A_848] : memref<1x2x10x64x1024xf32, #tpu.memory_space<vmem>>, vector<1x2x1x64x128xf32>
    %swap3A_850 = vector.shape_cast %swap3A_849 : vector<1x2x1x64x128xf32> to vector<2x64x128xf32>
    %swap3A_851 = vector.shape_cast %reshape3A_843 : vector<2x64x128xf32> to vector<1x2x1x64x128xf32>
    tpu.vector_store %arg2[%swap3A_844, %swap3A_845, %swap3A_846, %swap3A_847, %swap3A_848], %swap3A_851 {strides = array<i32>} : memref<1x2x10x64x1024xf32, #tpu.memory_space<vmem>>, vector<1x2x1x64x128xf32>,
    %slice3A_852 = vector.extract_strided_slice %squeeze3A {offsets = [896, 8, 0], sizes = [128, 1, 128], strides = [1, 1, 1]} : vector<1024x10x128xf32> to vector<128x1x128xf32>
    %squeeze3A_853 = vector.shape_cast %slice3A_852 : vector<128x1x128xf32> to vector<128x128xf32>
    %transpose3A_854 = tpu.transpose %squeeze3A_853, [1, 0] : vector<128x128xf32> -> vector<128x128xf32>
    %reshape3A_855 = vector.shape_cast %transpose3A_854 : vector<128x128xf32> to vector<2x64x128xf32>
    %swap3A_856 = arith.constant 0 : index
    %swap3A_857 = arith.constant 0 : index
    %swap3A_858 = arith.constant 8 : index
    %swap3A_859 = arith.constant 0 : index
    %swap3A_860 = arith.constant 896 : index
    %swap3A_861 = vector.load %arg2[%swap3A_856, %swap3A_857, %swap3A_858, %swap3A_859, %swap3A_860] : memref<1x2x10x64x1024xf32, #tpu.memory_space<vmem>>, vector<1x2x1x64x128xf32>
    %swap3A_862 = vector.shape_cast %swap3A_861 : vector<1x2x1x64x128xf32> to vector<2x64x128xf32>
    %swap3A_863 = vector.shape_cast %reshape3A_855 : vector<2x64x128xf32> to vector<1x2x1x64x128xf32>
    tpu.vector_store %arg2[%swap3A_856, %swap3A_857, %swap3A_858, %swap3A_859, %swap3A_860], %swap3A_863 {strides = array<i32>} : memref<1x2x10x64x1024xf32, #tpu.memory_space<vmem>>, vector<1x2x1x64x128xf32>,
    %slice3A_864 = vector.extract_strided_slice %squeeze3A {offsets = [0, 9, 0], sizes = [128, 1, 128], strides = [1, 1, 1]} : vector<1024x10x128xf32> to vector<128x1x128xf32>
    %squeeze3A_865 = vector.shape_cast %slice3A_864 : vector<128x1x128xf32> to vector<128x128xf32>
    %transpose3A_866 = tpu.transpose %squeeze3A_865, [1, 0] : vector<128x128xf32> -> vector<128x128xf32>
    %reshape3A_867 = vector.shape_cast %transpose3A_866 : vector<128x128xf32> to vector<2x64x128xf32>
    %swap3A_868 = arith.constant 0 : index
    %swap3A_869 = arith.constant 0 : index
    %swap3A_870 = arith.constant 9 : index
    %swap3A_871 = arith.constant 0 : index
    %swap3A_872 = arith.constant 0 : index
    %swap3A_873 = vector.load %arg2[%swap3A_868, %swap3A_869, %swap3A_870, %swap3A_871, %swap3A_872] : memref<1x2x10x64x1024xf32, #tpu.memory_space<vmem>>, vector<1x2x1x64x128xf32>
    %swap3A_874 = vector.shape_cast %swap3A_873 : vector<1x2x1x64x128xf32> to vector<2x64x128xf32>
    %swap3A_875 = vector.shape_cast %reshape3A_867 : vector<2x64x128xf32> to vector<1x2x1x64x128xf32>
    tpu.vector_store %arg2[%swap3A_868, %swap3A_869, %swap3A_870, %swap3A_871, %swap3A_872], %swap3A_875 {strides = array<i32>} : memref<1x2x10x64x1024xf32, #tpu.memory_space<vmem>>, vector<1x2x1x64x128xf32>,
    %slice3A_876 = vector.extract_strided_slice %squeeze3A {offsets = [128, 9, 0], sizes = [128, 1, 128], strides = [1, 1, 1]} : vector<1024x10x128xf32> to vector<128x1x128xf32>
    %squeeze3A_877 = vector.shape_cast %slice3A_876 : vector<128x1x128xf32> to vector<128x128xf32>
    %transpose3A_878 = tpu.transpose %squeeze3A_877, [1, 0] : vector<128x128xf32> -> vector<128x128xf32>
    %reshape3A_879 = vector.shape_cast %transpose3A_878 : vector<128x128xf32> to vector<2x64x128xf32>
    %swap3A_880 = arith.constant 0 : index
    %swap3A_881 = arith.constant 0 : index
    %swap3A_882 = arith.constant 9 : index
    %swap3A_883 = arith.constant 0 : index
    %swap3A_884 = arith.constant 128 : index
    %swap3A_885 = vector.load %arg2[%swap3A_880, %swap3A_881, %swap3A_882, %swap3A_883, %swap3A_884] : memref<1x2x10x64x1024xf32, #tpu.memory_space<vmem>>, vector<1x2x1x64x128xf32>
    %swap3A_886 = vector.shape_cast %swap3A_885 : vector<1x2x1x64x128xf32> to vector<2x64x128xf32>
    %swap3A_887 = vector.shape_cast %reshape3A_879 : vector<2x64x128xf32> to vector<1x2x1x64x128xf32>
    tpu.vector_store %arg2[%swap3A_880, %swap3A_881, %swap3A_882, %swap3A_883, %swap3A_884], %swap3A_887 {strides = array<i32>} : memref<1x2x10x64x1024xf32, #tpu.memory_space<vmem>>, vector<1x2x1x64x128xf32>,
    %slice3A_888 = vector.extract_strided_slice %squeeze3A {offsets = [256, 9, 0], sizes = [128, 1, 128], strides = [1, 1, 1]} : vector<1024x10x128xf32> to vector<128x1x128xf32>
    %squeeze3A_889 = vector.shape_cast %slice3A_888 : vector<128x1x128xf32> to vector<128x128xf32>
    %transpose3A_890 = tpu.transpose %squeeze3A_889, [1, 0] : vector<128x128xf32> -> vector<128x128xf32>
    %reshape3A_891 = vector.shape_cast %transpose3A_890 : vector<128x128xf32> to vector<2x64x128xf32>
    %swap3A_892 = arith.constant 0 : index
    %swap3A_893 = arith.constant 0 : index
    %swap3A_894 = arith.constant 9 : index
    %swap3A_895 = arith.constant 0 : index
    %swap3A_896 = arith.constant 256 : index
    %swap3A_897 = vector.load %arg2[%swap3A_892, %swap3A_893, %swap3A_894, %swap3A_895, %swap3A_896] : memref<1x2x10x64x1024xf32, #tpu.memory_space<vmem>>, vector<1x2x1x64x128xf32>
    %swap3A_898 = vector.shape_cast %swap3A_897 : vector<1x2x1x64x128xf32> to vector<2x64x128xf32>
    %swap3A_899 = vector.shape_cast %reshape3A_891 : vector<2x64x128xf32> to vector<1x2x1x64x128xf32>
    tpu.vector_store %arg2[%swap3A_892, %swap3A_893, %swap3A_894, %swap3A_895, %swap3A_896], %swap3A_899 {strides = array<i32>} : memref<1x2x10x64x1024xf32, #tpu.memory_space<vmem>>, vector<1x2x1x64x128xf32>,
    %slice3A_900 = vector.extract_strided_slice %squeeze3A {offsets = [384, 9, 0], sizes = [128, 1, 128], strides = [1, 1, 1]} : vector<1024x10x128xf32> to vector<128x1x128xf32>
    %squeeze3A_901 = vector.shape_cast %slice3A_900 : vector<128x1x128xf32> to vector<128x128xf32>
    %transpose3A_902 = tpu.transpose %squeeze3A_901, [1, 0] : vector<128x128xf32> -> vector<128x128xf32>
    %reshape3A_903 = vector.shape_cast %transpose3A_902 : vector<128x128xf32> to vector<2x64x128xf32>
    %swap3A_904 = arith.constant 0 : index
    %swap3A_905 = arith.constant 0 : index
    %swap3A_906 = arith.constant 9 : index
    %swap3A_907 = arith.constant 0 : index
    %swap3A_908 = arith.constant 384 : index
    %swap3A_909 = vector.load %arg2[%swap3A_904, %swap3A_905, %swap3A_906, %swap3A_907, %swap3A_908] : memref<1x2x10x64x1024xf32, #tpu.memory_space<vmem>>, vector<1x2x1x64x128xf32>
    %swap3A_910 = vector.shape_cast %swap3A_909 : vector<1x2x1x64x128xf32> to vector<2x64x128xf32>
    %swap3A_911 = vector.shape_cast %reshape3A_903 : vector<2x64x128xf32> to vector<1x2x1x64x128xf32>
    tpu.vector_store %arg2[%swap3A_904, %swap3A_905, %swap3A_906, %swap3A_907, %swap3A_908], %swap3A_911 {strides = array<i32>} : memref<1x2x10x64x1024xf32, #tpu.memory_space<vmem>>, vector<1x2x1x64x128xf32>,
    %slice3A_912 = vector.extract_strided_slice %squeeze3A {offsets = [512, 9, 0], sizes = [128, 1, 128], strides = [1, 1, 1]} : vector<1024x10x128xf32> to vector<128x1x128xf32>
    %squeeze3A_913 = vector.shape_cast %slice3A_912 : vector<128x1x128xf32> to vector<128x128xf32>
    %transpose3A_914 = tpu.transpose %squeeze3A_913, [1, 0] : vector<128x128xf32> -> vector<128x128xf32>
    %reshape3A_915 = vector.shape_cast %transpose3A_914 : vector<128x128xf32> to vector<2x64x128xf32>
    %swap3A_916 = arith.constant 0 : index
    %swap3A_917 = arith.constant 0 : index
    %swap3A_918 = arith.constant 9 : index
    %swap3A_919 = arith.constant 0 : index
    %swap3A_920 = arith.constant 512 : index
    %swap3A_921 = vector.load %arg2[%swap3A_916, %swap3A_917, %swap3A_918, %swap3A_919, %swap3A_920] : memref<1x2x10x64x1024xf32, #tpu.memory_space<vmem>>, vector<1x2x1x64x128xf32>
    %swap3A_922 = vector.shape_cast %swap3A_921 : vector<1x2x1x64x128xf32> to vector<2x64x128xf32>
    %swap3A_923 = vector.shape_cast %reshape3A_915 : vector<2x64x128xf32> to vector<1x2x1x64x128xf32>
    tpu.vector_store %arg2[%swap3A_916, %swap3A_917, %swap3A_918, %swap3A_919, %swap3A_920], %swap3A_923 {strides = array<i32>} : memref<1x2x10x64x1024xf32, #tpu.memory_space<vmem>>, vector<1x2x1x64x128xf32>,
    %slice3A_924 = vector.extract_strided_slice %squeeze3A {offsets = [640, 9, 0], sizes = [128, 1, 128], strides = [1, 1, 1]} : vector<1024x10x128xf32> to vector<128x1x128xf32>
    %squeeze3A_925 = vector.shape_cast %slice3A_924 : vector<128x1x128xf32> to vector<128x128xf32>
    %transpose3A_926 = tpu.transpose %squeeze3A_925, [1, 0] : vector<128x128xf32> -> vector<128x128xf32>
    %reshape3A_927 = vector.shape_cast %transpose3A_926 : vector<128x128xf32> to vector<2x64x128xf32>
    %swap3A_928 = arith.constant 0 : index
    %swap3A_929 = arith.constant 0 : index
    %swap3A_930 = arith.constant 9 : index
    %swap3A_931 = arith.constant 0 : index
    %swap3A_932 = arith.constant 640 : index
    %swap3A_933 = vector.load %arg2[%swap3A_928, %swap3A_929, %swap3A_930, %swap3A_931, %swap3A_932] : memref<1x2x10x64x1024xf32, #tpu.memory_space<vmem>>, vector<1x2x1x64x128xf32>
    %swap3A_934 = vector.shape_cast %swap3A_933 : vector<1x2x1x64x128xf32> to vector<2x64x128xf32>
    %swap3A_935 = vector.shape_cast %reshape3A_927 : vector<2x64x128xf32> to vector<1x2x1x64x128xf32>
    tpu.vector_store %arg2[%swap3A_928, %swap3A_929, %swap3A_930, %swap3A_931, %swap3A_932], %swap3A_935 {strides = array<i32>} : memref<1x2x10x64x1024xf32, #tpu.memory_space<vmem>>, vector<1x2x1x64x128xf32>,
    %slice3A_936 = vector.extract_strided_slice %squeeze3A {offsets = [768, 9, 0], sizes = [128, 1, 128], strides = [1, 1, 1]} : vector<1024x10x128xf32> to vector<128x1x128xf32>
    %squeeze3A_937 = vector.shape_cast %slice3A_936 : vector<128x1x128xf32> to vector<128x128xf32>
    %transpose3A_938 = tpu.transpose %squeeze3A_937, [1, 0] : vector<128x128xf32> -> vector<128x128xf32>
    %reshape3A_939 = vector.shape_cast %transpose3A_938 : vector<128x128xf32> to vector<2x64x128xf32>
    %swap3A_940 = arith.constant 0 : index
    %swap3A_941 = arith.constant 0 : index
    %swap3A_942 = arith.constant 9 : index
    %swap3A_943 = arith.constant 0 : index
    %swap3A_944 = arith.constant 768 : index
    %swap3A_945 = vector.load %arg2[%swap3A_940, %swap3A_941, %swap3A_942, %swap3A_943, %swap3A_944] : memref<1x2x10x64x1024xf32, #tpu.memory_space<vmem>>, vector<1x2x1x64x128xf32>
    %swap3A_946 = vector.shape_cast %swap3A_945 : vector<1x2x1x64x128xf32> to vector<2x64x128xf32>
    %swap3A_947 = vector.shape_cast %reshape3A_939 : vector<2x64x128xf32> to vector<1x2x1x64x128xf32>
    tpu.vector_store %arg2[%swap3A_940, %swap3A_941, %swap3A_942, %swap3A_943, %swap3A_944], %swap3A_947 {strides = array<i32>} : memref<1x2x10x64x1024xf32, #tpu.memory_space<vmem>>, vector<1x2x1x64x128xf32>,
    %slice3A_948 = vector.extract_strided_slice %squeeze3A {offsets = [896, 9, 0], sizes = [128, 1, 128], strides = [1, 1, 1]} : vector<1024x10x128xf32> to vector<128x1x128xf32>
    %squeeze3A_949 = vector.shape_cast %slice3A_948 : vector<128x1x128xf32> to vector<128x128xf32>
    %transpose3A_950 = tpu.transpose %squeeze3A_949, [1, 0] : vector<128x128xf32> -> vector<128x128xf32>
    %reshape3A_951 = vector.shape_cast %transpose3A_950 : vector<128x128xf32> to vector<2x64x128xf32>
    %swap3A_952 = arith.constant 0 : index
    %swap3A_953 = arith.constant 0 : index
    %swap3A_954 = arith.constant 9 : index
    %swap3A_955 = arith.constant 0 : index
    %swap3A_956 = arith.constant 896 : index
    %swap3A_957 = vector.load %arg2[%swap3A_952, %swap3A_953, %swap3A_954, %swap3A_955, %swap3A_956] : memref<1x2x10x64x1024xf32, #tpu.memory_space<vmem>>, vector<1x2x1x64x128xf32>
    %swap3A_958 = vector.shape_cast %swap3A_957 : vector<1x2x1x64x128xf32> to vector<2x64x128xf32>
    %swap3A_959 = vector.shape_cast %reshape3A_951 : vector<2x64x128xf32> to vector<1x2x1x64x128xf32>
    tpu.vector_store %arg2[%swap3A_952, %swap3A_953, %swap3A_954, %swap3A_955, %swap3A_956], %swap3A_959 {strides = array<i32>} : memref<1x2x10x64x1024xf32, #tpu.memory_space<vmem>>, vector<1x2x1x64x128xf32>,
    return
  }
  func.func @transform_0(%arg0: i32) -> (i32, i32, i32, i32) {
    %c0_i32 = arith.constant 0 : i32
    %c0_i32_0 = arith.constant 0 : i32
    %c0_i32_1 = arith.constant 0 : i32
    %c0_i32_2 = arith.constant 0 : i32
    return %c0_i32, %arg0, %c0_i32_0, %c0_i32_1 : i32, i32, i32, i32
  }
  func.func @transform_1(%arg0: i32) -> (i32, i32, i32, i32, i32) {
    %c0_i32 = arith.constant 0 : i32
    %c0_i32_0 = arith.constant 0 : i32
    %c0_i32_1 = arith.constant 0 : i32
    %c0_i32_2 = arith.constant 0 : i32
    %c0_i32_3 = arith.constant 0 : i32
    return %arg0, %c0_i32, %c0_i32_0, %c0_i32_1, %c0_i32_2 : i32, i32, i32, i32, i32
  }
}

</mosaic_0001>

<sc_bundles>
// kernel: kernel.4.cloned.1.call-start
scs
__scs_entry_jumppad:
0x0: {  	(pc) =	sbr.rel $0x88, $3  }
0x1: {  	(tag) =	ssettag $0x0;
	lr =	simm.s32 $0x1  }
0x2: {  	[smem:$0x3F9F] =	sst lr;
	_ =	strace $0xD0000000  }
0x3: {  	_ = 	snop  }
0x4: {  	_ = 	snop  }
0x5: {  	_ = 	snop  }
0x6: {  	_ = 	snop  }
0x7: {  	_ = 	snop  }
__scs_overlays_trampoline_lowered:
0x8: {  	[smem:$0x3FAE] =	sst s0  }
0x9: {  	[smem:$0x3FAF] =	sst s1  }
0xa: {  	[smem:$0x3FB0] =	sst s2  }
0xb: {  	[smem:$0x3FB1] =	sst s3  }
0xc: {  	[smem:$0x3FB2] =	sst s4  }
0xd: {  	[smem:$0x3FB3] =	sst s5  }
0xe: {  	[smem:$0x3FB4] =	sst s6  }
0xf: {  	[smem:$0x3FB5] =	sst s7  }
0x10: {  	[smem:$0x3FB6] =	sst s8  }
0x11: {  	[smem:$0x3FB7] =	sst s9;
	s0 =	simm.s32 @!p0 $0x0  }
0x12: {  	s1 =	sld [smem:$0x3F9D];
	s0 =	simm.s32 @p0 $0x1  }
0x13: {  	[smem:$0x3FB8] =	sst s0;
	s0 =	simm.s32 @!p1 $0x0  }
0x14: {  	s2 =	sld [smem:$0x3F9C];
	s0 =	simm.s32 @p1 $0x1  }
0x15: {  	[smem:$0x3FB9] =	sst s0;
	s0 =	simm.s32 @!p2 $0x0  }
0x16: {  	s3 =	sld [smem:$0x3FDB];
	s0 =	simm.s32 @p2 $0x1  }
0x17: {  	s4 =	simm.s32 $0x1BF5;
	[smem:$0x3FBB] =	sst s0  }
0x18: {  	s0 =	sld [smem:$0x3F9E];
	_ =	swait.ge [sflag:s4], $0x0  }
0x19: {  	s7 =	sld [smem:$0x3F9F]  }
0x1a: {  	s8 =	sadd.s32 $0xFFFFE003, lr  }
0x1b: {  	s9 =	sadd.s32 $0xFFFFFEF7, lr;
	s5 =	simm.s32 $0xFFFFFFFF;
	p2 =	slt.u32 s8, $0xFFFFF086  }
0x1c: {  	p1 =	slt.u32 s9, $0xF7A;
	s5 =	simm.s32 @!p2 $0x0  }
0x1d: {  	s5 =	simm.s32 @p1 $0x1;
	p0 =	seq.s32 s7, s2  }
0x1e: {  	s7 =	smul.u32 @!p0 $0xF7A, s2;
	p2 =	seq.s32 @!p0 s5, $0x0  }
0x1f: {  	s9 =	smul.u32 $0xF7A, s1;
	s8 =	simm.s32 @!p0 $0x1BF5;
	p2 =	por !p2, p0  }
0x20: {  	[sflag:s8] =	ssyncset.s32 @!p0 $0xFFFFF086;
	s6 =	sadd.s32 @!p0 s3, s7;
	s7 =	simm.s32 @!p0 $0x108  }
0x21: {  	s3 =	sadd.s32 s3, s9;
	s6 =	sadd.s32 @!p0 $0x88, s6;
	s7 =	simm.s32 @p2 $0x1082  }
0x22: {  	[simem:s7], [sflag:s8] =	dma.local @!p0 [hbm:s6], $0xF7A  }
0x23: {  	s9 =	sor.u32 $0xD0000000, s2;
	s6 =	simm.s32 $0x108;
	_ =	swait.ge @!p0 [sflag:s8], $0x0  }
0x24: {  	s3 =	sadd.s32 $0x88, s3;
	s6 =	simm.s32 @!p1 $0x1082;
	[sflag:s4] =	ssyncset.s32 $0xFFFFF086  }
0x25: {  	[simem:s6], [sflag:s4] =	dma.local [hbm:s3], $0xF7A  }
0x26: {  	[smem:$0x3F9F] =	sst s1;
	(tag) =	ssettag s2;
	_ =	strace s9  }
0x27: {  	s1 =	sld [smem:$0x3FAF]  }
0x28: {  	s2 =	sld [smem:$0x3FB0]  }
0x29: {  	s4 =	sld [smem:$0x3FB2]  }
0x2a: {  	p0 =	seq.s32 s5, $0x0;
	s5 =	sld [smem:$0x3FB3]  }
0x2b: {  	s6 =	sld [smem:$0x3FB4]  }
0x2c: {  	s7 =	sld [smem:$0x3FB5]  }
0x2d: {  	s3 =	simm.s32 $0x108;
	s8 =	sld [smem:$0x3FB6]  }
0x2e: {  	s3 =	simm.s32 @!p0 $0x1082;
	s9 =	sld [smem:$0x3FB7]  }
0x2f: {  	lr =	sadd.s32 s0, s3;
	s0 =	sld [smem:$0x3FAE]  }
0x30: {  	s3 =	sld [smem:$0x3FB1]  }
0x31: {  	[smem:$0x3FBA] =	sst s10  }
0x32: {  	s10 =	sld [smem:$0x3FB8];
	_ =	sdelay $0x3  }
0x33: {  	p0 =	seq.s32 s10, $0x1;
	s10 =	sld [smem:$0x3FBA];
	_ =	sdelay $0x3  }
0x34: {  	[smem:$0x3FBA] =	sst s10  }
0x35: {  	s10 =	sld [smem:$0x3FB9];
	_ =	sdelay $0x3  }
0x36: {  	p1 =	seq.s32 s10, $0x1;
	s10 =	sld [smem:$0x3FBA];
	_ =	sdelay $0x3  }
0x37: {  	[smem:$0x3FBA] =	sst s10  }
0x38: {  	s10 =	sld [smem:$0x3FBB]  }
0x39: {  	_ = 	snop;
	(pc) =	sbr.ind lr, $3  }
0x3a: {  	_ = 	snop  }
0x3b: {  	_ = 	snop  }
0x3c: {  	p2 =	seq.s32 s10, $0x1;
	s10 =	sld [smem:$0x3FBA]  }
0x3d: {  	_ =	shalt  }
0x3e: {  	_ =	shalt  }
0x3f: {  	_ =	shalt  }
0x40: {  	_ =	shalt  }
0x41: {  	_ =	shalt  }
0x42: {  	_ =	shalt  }
0x43: {  	_ =	shalt  }
0x44: {  	_ =	shalt  }
0x45: {  	_ =	shalt  }
0x46: {  	_ =	shalt  }
0x47: {  	_ =	shalt  }
0x48: {  	_ =	shalt  }
0x49: {  	_ =	shalt  }
0x4a: {  	_ =	shalt  }
0x4b: {  	_ =	shalt  }
0x4c: {  	_ =	shalt  }
0x4d: {  	_ =	shalt  }
0x4e: {  	_ =	shalt  }
0x4f: {  	_ =	shalt  }
0x50: {  	_ =	shalt  }
0x51: {  	_ =	shalt  }
0x52: {  	_ =	shalt  }
0x53: {  	_ =	shalt  }
0x54: {  	_ =	shalt  }
0x55: {  	_ =	shalt  }
0x56: {  	_ =	shalt  }
0x57: {  	_ =	shalt  }
0x58: {  	_ =	shalt  }
0x59: {  	_ =	shalt  }
0x5a: {  	_ =	shalt  }
0x5b: {  	_ =	shalt  }
0x5c: {  	_ =	shalt  }
0x5d: {  	_ =	shalt  }
0x5e: {  	_ =	shalt  }
0x5f: {  	_ =	shalt  }
0x60: {  	_ =	shalt  }
0x61: {  	_ =	shalt  }
0x62: {  	_ =	shalt  }
0x63: {  	_ =	shalt  }
0x64: {  	_ =	shalt  }
0x65: {  	_ =	shalt  }
0x66: {  	_ =	shalt  }
0x67: {  	_ =	shalt  }
0x68: {  	_ =	shalt  }
0x69: {  	_ =	shalt  }
0x6a: {  	_ =	shalt  }
0x6b: {  	_ =	shalt  }
0x6c: {  	_ =	shalt  }
0x6d: {  	_ =	shalt  }
0x6e: {  	_ =	shalt  }
0x6f: {  	_ =	shalt  }
0x70: {  	_ =	shalt  }
0x71: {  	_ =	shalt  }
0x72: {  	_ =	shalt  }
0x73: {  	_ =	shalt  }
0x74: {  	_ =	shalt  }
0x75: {  	_ =	shalt  }
0x76: {  	_ =	shalt  }
0x77: {  	_ =	shalt  }
0x78: {  	_ =	shalt  }
0x79: {  	_ =	shalt  }
0x7a: {  	_ =	shalt  }
0x7b: {  	_ =	shalt  }
0x7c: {  	_ =	shalt  }
0x7d: {  	_ =	shalt  }
0x7e: {  	_ =	shalt  }
0x7f: {  	_ =	shalt  }
0x80: {  	_ =	shalt  }
0x81: {  	_ =	shalt  }
0x82: {  	_ =	shalt  }
0x83: {  	_ =	shalt  }
0x84: {  	_ =	shalt  }
0x85: {  	_ =	shalt  }
0x86: {  	_ =	shalt  }
0x87: {  	_ =	shalt  }
.Lfunc_end0:
.L_simem_size_0:
called_computation_lowered:
.L_overlay_start_0:
0x88: {  	s2 =	sld [smem:$0x3FD9]  }
0x89: {  	s3 =	sld [smem:$0x3FFE];
	_ =	sdelay $0x1  }
0x8a: {  	s1 =	srdreg.scid  }
0x8b: {  	s0 =	sand.u32 $0x1, s1  }
0x8c: {  	s17 =	sshll.u32 s0, $0xA;
	s2 =	sadd.s32 s3, s2  }
0x8d: {  	s2 =	sadd.s32 s2, s17  }
0x8e: {  	[smem:$0x3FC6] =	sst s2  }
0x8f: {  	_ = 	snop  }
0x90: {  	s2 =	sld [smem:$0x3FD0];
	(tm) =	ssettm $0x1  }
0x91: {  	s18 =	sld [smem:$0x3FFB];
	_ =	sdelay $0x3  }
0x92: {  	_ =	strace s18  }
0x93: {  	s3 =	sld [smem:$0x3FFC];
	_ =	sdelay $0x3  }
0x94: {  	_ =	strace s3  }
0x95: {  	s3 =	sld [smem:$0x3FFD];
	_ =	sdelay $0x3  }
0x96: {  	_ =	strace s3  }
0x97: {  	_ =	strace $0x8FFFFFFF  }
0x98: {  	s19 =	sld [smem:$0x3FDB];
	_ =	sdelay $0x1  }
0x99: {  	s4 =	simm.s32 $_scs_section_size  }
0x9a: {  	s5 =	simm.s32 $_size__tile_overlayer_lowered;
	s6 =	simm.s32 $_tile_overlayer_lowered  }
0x9b: {  	s22 =	simm.s32 $0x1BFF;
	s21 =	sshll.u32 s6, $0x1;
	s3 =	sadd.s32 s4, s19  }
0x9c: {  	s7 =	simm.s32 $0x0;
	s20 =	sshll.u32 s5, $0x1;
	s5 =	sadd.s32 s21, s3  }
0x9d: {  	[timem:s7], [sflag:s22] =	dma.local [hbm:s5], s20  }
0x9e: {  	_ =	swait.ge [sflag:s22], s20  }
0x9f: {  	s4 =	ssub.s32 $0x0, s20;
	[sflag:s22] =	ssyncset.done $0x0  }
0xa0: {  	[sflag:s22] =	ssyncadd.s32 s4;
	_ =	sdelay $0x1  }
0xa1: {  	s23 =	simm.s32 $0x1B8B  }
0xa2: {  	_ =	swait.ge [sflag:s23], $0x1  }
0xa3: {  	[sflag:s23] =	ssyncset.done $0x0  }
0xa4: {  	s25 =	simm.s32 $0x1B8E;
	s24 =	sld [smem:$0x3FFE];
	[sflag:s23] =	ssyncadd.s32 $0xFFFFFFFF  }
0xa5: {  	s26 =	simm.s32 $execute0_lowered;
	[smem:$0x3FD2] =	sst s25  }
0xa6: {  	s5 =	sshll.u32 s26, $0x1;
	_ =	strace $0x80000046;
	[dreg:$0x1] =	wrdreg $0xFFFFFFFF  }
0xa7: {  	s28 =	simm.s32 $_size_execute0_lowered;
	s3 =	sadd.s32 s3, s5;
	[dreg:$0x0] =	wrdreg $0x0  }
0xa8: {  	s5 =	sshll.u32 s28, $0x1;
	[dreg:$0x2] =	wrdreg s3  }
0xa9: {  	[dreg:$0x3] =	wrdreg s5  }
0xaa: {  	[dreg:$0x4] =	wrdreg $0xC0  }
0xab: {  	_ =	task [dreg:s7], $0x5FFFF  }
0xac: {  	[dreg:$0x1] =	wrdreg $0xFFFFFFFF  }
0xad: {  	[dreg:$0x0] =	wrdreg $0x60  }
0xae: {  	[dreg:$0x2] =	wrdreg s24  }
0xaf: {  	[dreg:$0x3] =	wrdreg s2  }
0xb0: {  	[dreg:$0x4] =	wrdreg $0x9  }
0xb1: {  	_ =	task.clear_ibuf [dreg:s7], $0x5FFFF;
	_ =	strace $0x90000046  }
0xb2: {  	s29 =	simm.s32 $0x9;
	_ =	strace $0x80000048  }
0xb3: {  	_ =	swait.ge [sflag:s29], $0x1  }
0xb4: {  	[sflag:s29] =	ssyncadd.s32 $0xFFFFFFFF  }
0xb5: {  	_ =	strace $0x90000048  }
0xb6: {  	_ =	sfence  }
0xb7: {  	s30 =	sld [smem:$0x0];
	_ =	sdelay $0x2  }
0xb8: {  	s31 =	sshll.u32 s1, $0xD;
	s1 =	sshrl.u32 s1, $0x2  }
0xb9: {  	s3 =	sand.u32 $0x4000, s31;
	s1 =	sadd.s32 s1, s30  }
0xba: {  	s0 =	sor.u32 s3, s0;
	s1 =	sshll.u32 s1, $0x11  }
0xbb: {  	s0 =	sor.u32 s1, s0  }
0xbc: {  	s0 =	sadd.s32 $0x8F2B, s0  }
0xbd: {  	[sflag:s0] =	ssyncadd.remote.s32 $0x1  }
0xbe: {  	_ =	sfence.sel $0xFFFF  }
0xbf: {  	[dreg:$0x0] =	wrdreg $0xFFFFFFFF;
	(pc) =	sbr.abs _section_cstart, $3  }
0xc0: {  	[dreg:$0x1] =	wrdreg $0xFFFFFFFF  }
0xc1: {  	_ =	task.clear_ibuf [dreg:s7], $0x2FFFF;
	_ =	strace $0x9FFFFFFF  }
0xc2: {  	(tm) =	ssettm $0x7FFFFFFF  }
0xc3: {  	_ =	shalt  }
tec
execute0_lowered:
.L_overlay_start_1:
0x0: {  	(tag) =	ssettag $0x1  }
0x1: {  	s0 =	rddreg [dreg:$0x0]  }
0x2: {  	s2 =	rddreg [dreg:$0x1]  }
0x3: {  	s3 =	simm.s32 $0x0;
	s1 =	srdreg.scid;
	s11 =	stileid.u32  }
0x4: {  	s17 =	simm.s32 $0x3;
	s18 =	simm.s32 $0x2080;
	s19 =	simm.s32 $0x80  }
0x5: {  	s20 =	simm.s32 $0x4100;
	s21 =	simm.s32 $0x8100;
	s22 =	simm.s32 $0x1  }
0x6: {  	s23 =	simm.s32 $0x40;
	s24 =	simm.s32 $0x6100;
	s15 =	smul.u32 $0x208000, s11  }
0x7: {  	s28 =	simm.s32 $0x2;
	s1 =	sand.u32 $0x1, s1;
	s30 =	smul.u32 $0x41000, s11  }
0x8: {  	[smem:$0x7FF] =	sst s3;
	s4 =	sshll.u32 s11, $0x1;
	s16 =	smul.u32 $0x104000, s1  }
0x9: {  	s5 =	sor.u32 s1, s4;
	s7 =	ssub.s32 $0x2, s1;
	s1 =	smul.u32 $0x20800, s1  }
0xa: {  	s31 =	simm.s32 $0x0;
	_ =	strace $0x80000047;
	s6 =	smul.u32 $0x2080, s5  }
0xb: {  	s4 =	sadd.s32 $0xF42C00, s0;
	s8 =	smul.u32 $0x410, s5;
	s9 =	sshrl.u32 s7, $0x1  }
0xc: {  	s0 =	sadd.s32 $0x600, s0;
	s10 =	smul.u32 $0x104000, s5;
	s14 =	ssub.s32 s7, s9  }
0xd: {  	s15 =	sadd.s32 s16, s15;
	s6 =	sshrl.u32 s6, $0x3;
	s25 =	sadd.s32 s0, s8  }
0xe: {  	s26 =	sshrl.u32 s10, $0x3;
	s8 =	sadd.s32 $0x8, s2;
	s14 =	smax.u32 s14, $0x1  }
0xf: {  	s15 =	sadd.s32 $0x8000, s15;
	[dreg:$0x3] =	wrdreg s25;
	s0 =	sadd.s32 s0, s6  }
0x10: {  	s7 =	sadd.s32 s2, s26;
	s9 =	sadd.s32 s26, s8;
	s0 =	sadd.s32 $0x8200, s0  }
0x11: {  	s26 =	simm.s32 $0xA100;
	[dreg:$0x4] =	wrdreg s0;
	s0 =	sadd.s32 s30, s2  }
0x12: {  	s10 =	sadd.s32 $0x800, s7;
	s11 =	sadd.s32 $0x808, s7;
	s0 =	sadd.s32 s1, s0  }
0x13: {  	s12 =	sadd.s32 $0x20000, s7;
	s13 =	sadd.s32 $0x20008, s7;
	s29 =	sadd.s32 $0x1808, s0  }
.LBB2_1:
0x14: {  	s0 =	rddreg [dreg:$0x3]  }
0x15: {  	[tilespmem:s3], [sflag:$0x3] =	stream.linear.gather [hbm4b:s0+s3], $0x2080, $0x38;
	[tilespmem:$0xC100] =	vst v63  }
0x16: {  	_ =	swait.ge [sflag:s17], $0x2080  }
0x17: {  	[sflag:s17] =	ssyncset.done $0x0  }
0x18: {  	s25 =	rddreg [dreg:$0x4];
	[sflag:s17] =	ssyncadd.s32 $0xFFFFDF80  }
0x19: {  	[tilespmem:s18], [sflag:$0x3] =	stream.linear.gather [hbm4b:s25+s3], $0x2080, $0x38;
	[tilespmem:$0xC100] =	vst v63  }
0x1a: {  	_ =	swait.ge [sflag:s17], $0x2080  }
0x1b: {  	[sflag:s17] =	ssyncset.done $0x0  }
0x1c: {  	[sflag:s17] =	ssyncadd.s32 $0xFFFFDF80  }
0x1d: {  	[tilespmem:s20], [sflag:$0x1] =	stream.indirect.gather [hbm4b:s4+s19], $0x40, s3, s19, $0xb8;
	[tilespmem:$0xC100] =	vst v63  }
0x1e: {  	_ = 	snop  }
0x1f: {  	[tilespmem:s21], [sflag:$0x1] =	stream.indirect.gather [hbm4b:s4+s19], $0x40, s18, s19, $0xb8;
	[tilespmem:$0xC100] =	vst v63  }
0x20: {  	_ =	swait.ge [sflag:s22], $0x2000  }
0x21: {  	[sflag:s22] =	ssyncset.done $0x0  }
0x22: {  	[sflag:s22] =	ssyncadd.s32 $0xFFFFE000  }
0x23: {  	_ =	swait.ge [sflag:s22], $0x2000  }
0x24: {  	[sflag:s22] =	ssyncset.done $0x0  }
0x25: {  	[sflag:s22] =	ssyncadd.s32 $0xFFFFE000  }
0x26: {  	[hbm4b:s7+s23] =	stream.strided.scatter [tilespmem:s20], [sflag:$0x2], $0x2000, s19, s23, $0x38;
	[tilespmem:$0xC100] =	vst v63  }
0x27: {  	_ = 	snop  }
0x28: {  	[hbm4b:s9+s23] =	stream.strided.scatter [tilespmem:s21], [sflag:$0x2], $0x2000, s19, s23, $0x38;
	[tilespmem:$0xC100] =	vst v63  }
0x29: {  	_ = 	snop  }
0x2a: {  	[tilespmem:s24], [sflag:$0x1] =	stream.indirect.gather [hbm4b:s4+s19], $0x40, s19, s19, $0xb8;
	[tilespmem:$0xC100] =	vst v63  }
0x2b: {  	s30 =	simm.s32 $0x2100  }
0x2c: {  	[tilespmem:s26], [sflag:$0x1] =	stream.indirect.gather [hbm4b:s4+s19], $0x40, s30, s19, $0xb8;
	[tilespmem:$0xC100] =	vst v63  }
0x2d: {  	_ =	swait.ge [sflag:s22], $0x2000  }
0x2e: {  	[sflag:s22] =	ssyncset.done $0x0  }
0x2f: {  	[sflag:s22] =	ssyncadd.s32 $0xFFFFE000  }
0x30: {  	_ =	swait.ge [sflag:s22], $0x2000  }
0x31: {  	[sflag:s22] =	ssyncset.done $0x0  }
0x32: {  	[sflag:s22] =	ssyncadd.s32 $0xFFFFE000  }
0x33: {  	[hbm4b:s10+s23] =	stream.strided.scatter [tilespmem:s24], [sflag:$0x2], $0x2000, s19, s23, $0x38;
	[tilespmem:$0xC100] =	vst v63  }
0x34: {  	_ = 	snop  }
0x35: {  	[hbm4b:s11+s23] =	stream.strided.scatter [tilespmem:s26], [sflag:$0x2], $0x2000, s19, s23, $0x38;
	[tilespmem:$0xC100] =	vst v63  }
0x36: {  	_ =	swait.ge [sflag:s28], $0x2000  }
0x37: {  	[sflag:s28] =	ssyncset.done $0x0  }
0x38: {  	[sflag:s28] =	ssyncadd.s32 $0xFFFFE000  }
0x39: {  	_ =	swait.ge [sflag:s28], $0x2000  }
0x3a: {  	[sflag:s28] =	ssyncset.done $0x0  }
0x3b: {  	s1 =	simm.s32 $0x100;
	[sflag:s28] =	ssyncadd.s32 $0xFFFFE000  }
0x3c: {  	[tilespmem:s20], [sflag:$0x1] =	stream.indirect.gather [hbm4b:s4+s19], $0x40, s1, s19, $0xb8;
	[tilespmem:$0xC100] =	vst v63  }
0x3d: {  	s5 =	simm.s32 $0x2180  }
0x3e: {  	[tilespmem:s21], [sflag:$0x1] =	stream.indirect.gather [hbm4b:s4+s19], $0x40, s5, s19, $0xb8;
	[tilespmem:$0xC100] =	vst v63  }
0x3f: {  	_ =	swait.ge [sflag:s22], $0x2000  }
0x40: {  	[sflag:s22] =	ssyncset.done $0x0  }
0x41: {  	[sflag:s22] =	ssyncadd.s32 $0xFFFFE000  }
0x42: {  	_ =	swait.ge [sflag:s22], $0x2000  }
0x43: {  	s6 =	sshrl.u32 s15, $0x3;
	[sflag:s22] =	ssyncset.done $0x0  }
0x44: {  	s1 =	sadd.s32 s2, s6;
	[sflag:s22] =	ssyncadd.s32 $0xFFFFE000  }
0x45: {  	[hbm4b:s1+s23] =	stream.strided.scatter [tilespmem:s20], [sflag:$0x2], $0x2000, s19, s23, $0x38;
	[tilespmem:$0xC100] =	vst v63  }
0x46: {  	s0 =	sadd.s32 s6, s8  }
0x47: {  	[hbm4b:s0+s23] =	stream.strided.scatter [tilespmem:s21], [sflag:$0x2], $0x2000, s19, s23, $0x38;
	[tilespmem:$0xC100] =	vst v63  }
0x48: {  	_ =	swait.ge [sflag:s28], $0x2000  }
0x49: {  	[sflag:s28] =	ssyncset.done $0x0  }
0x4a: {  	[sflag:s28] =	ssyncadd.s32 $0xFFFFE000  }
0x4b: {  	_ =	swait.ge [sflag:s28], $0x2000  }
0x4c: {  	[sflag:s28] =	ssyncset.done $0x0  }
0x4d: {  	s16 =	simm.s32 $0x180;
	[sflag:s28] =	ssyncadd.s32 $0xFFFFE000  }
0x4e: {  	[tilespmem:s24], [sflag:$0x1] =	stream.indirect.gather [hbm4b:s4+s19], $0x40, s16, s19, $0xb8;
	[tilespmem:$0xC100] =	vst v63  }
0x4f: {  	s25 =	simm.s32 $0x2200  }
0x50: {  	[tilespmem:s26], [sflag:$0x1] =	stream.indirect.gather [hbm4b:s4+s19], $0x40, s25, s19, $0xb8;
	[tilespmem:$0xC100] =	vst v63  }
0x51: {  	_ =	swait.ge [sflag:s22], $0x2000  }
0x52: {  	[sflag:s22] =	ssyncset.done $0x0  }
0x53: {  	[sflag:s22] =	ssyncadd.s32 $0xFFFFE000  }
0x54: {  	s30 =	sadd.s32 $0xFFFFFFF8, s29;
	_ =	swait.ge [sflag:s22], $0x2000  }
0x55: {  	s1 =	sadd.s32 $0x8000, s15;
	s0 =	simm.s32 $0x400;
	[sflag:s22] =	ssyncset.done $0x0  }
0x56: {  	s16 =	smov.u32 s29;
	s25 =	sadd.s32 $0x1000, s29;
	[sflag:s22] =	ssyncadd.s32 $0xFFFFE000  }
0x57: {  	[hbm4b:s30+s23] =	stream.strided.scatter [tilespmem:s24], [sflag:$0x2], $0x2000, s19, s23, $0x38;
	[tilespmem:$0xC100] =	vst v63  }
.LBB2_2:
0x58: {  	[hbm4b:s16+s23] =	stream.strided.scatter [tilespmem:s26], [sflag:$0x2], $0x2000, s19, s23, $0x38;
	[tilespmem:$0xC100] =	vst v63  }
0x59: {  	s30 =	smov.u32 s0;
	s16 =	smov.u32 s25  }
0x5a: {  	p0 =	sne.s32 s0, $0x7800;
	s0 =	sadd.s32 $0x400, s0;
	_ =	swait.ge [sflag:s28], $0x2000  }
0x5b: {  	[sflag:s28] =	ssyncset.done $0x0  }
0x5c: {  	[sflag:s28] =	ssyncadd.s32 $0xFFFFE000  }
0x5d: {  	_ =	swait.ge [sflag:s28], $0x2000  }
0x5e: {  	s30 =	sshra.s32 s30, $0x2;
	[sflag:s28] =	ssyncset.done $0x0  }
0x5f: {  	s5 =	sadd.s32 $0x100, s30;
	[sflag:s28] =	ssyncadd.s32 $0xFFFFE000  }
0x60: {  	[tilespmem:s20], [sflag:$0x1] =	stream.indirect.gather [hbm4b:s4+s19], $0x40, s5, s19, $0xb8;
	[tilespmem:$0xC100] =	vst v63  }
0x61: {  	s5 =	sadd.s32 $0x2180, s30  }
0x62: {  	[tilespmem:s21], [sflag:$0x1] =	stream.indirect.gather [hbm4b:s4+s19], $0x40, s5, s19, $0xb8;
	[tilespmem:$0xC100] =	vst v63  }
0x63: {  	_ =	swait.ge [sflag:s22], $0x2000  }
0x64: {  	[sflag:s22] =	ssyncset.done $0x0  }
0x65: {  	[sflag:s22] =	ssyncadd.s32 $0xFFFFE000  }
0x66: {  	_ =	swait.ge [sflag:s22], $0x2000  }
0x67: {  	s5 =	sshrl.u32 s1, $0x3;
	[sflag:s22] =	ssyncset.done $0x0  }
0x68: {  	s6 =	sadd.s32 s2, s5;
	[sflag:s22] =	ssyncadd.s32 $0xFFFFE000  }
0x69: {  	[hbm4b:s6+s23] =	stream.strided.scatter [tilespmem:s20], [sflag:$0x2], $0x2000, s19, s23, $0x38;
	[tilespmem:$0xC100] =	vst v63  }
0x6a: {  	s5 =	sadd.s32 s5, s8  }
0x6b: {  	[hbm4b:s5+s23] =	stream.strided.scatter [tilespmem:s21], [sflag:$0x2], $0x2000, s19, s23, $0x38;
	[tilespmem:$0xC100] =	vst v63  }
0x6c: {  	_ =	swait.ge [sflag:s28], $0x2000  }
0x6d: {  	[sflag:s28] =	ssyncset.done $0x0  }
0x6e: {  	[sflag:s28] =	ssyncadd.s32 $0xFFFFE000  }
0x6f: {  	_ =	swait.ge [sflag:s28], $0x2000  }
0x70: {  	[sflag:s28] =	ssyncset.done $0x0  }
0x71: {  	s5 =	sadd.s32 $0x180, s30;
	[sflag:s28] =	ssyncadd.s32 $0xFFFFE000  }
0x72: {  	[tilespmem:s24], [sflag:$0x1] =	stream.indirect.gather [hbm4b:s4+s19], $0x40, s5, s19, $0xb8;
	[tilespmem:$0xC100] =	vst v63  }
0x73: {  	s5 =	sadd.s32 $0x2200, s30  }
0x74: {  	[tilespmem:s26], [sflag:$0x1] =	stream.indirect.gather [hbm4b:s4+s19], $0x40, s5, s19, $0xb8;
	[tilespmem:$0xC100] =	vst v63  }
0x75: {  	_ =	swait.ge [sflag:s22], $0x2000  }
0x76: {  	[sflag:s22] =	ssyncset.done $0x0  }
0x77: {  	[sflag:s22] =	ssyncadd.s32 $0xFFFFE000  }
.Ltmp0:
0x78: {  	_ =	swait.ge [sflag:s22], $0x2000;
	(pc) =	sbr.rel @p0 .LBB2_2-.Ltmp0, $4  }
0x79: {  	[sflag:s22] =	ssyncset.done $0x0  }
0x7a: {  	s5 =	sadd.s32 $0xFFFFFFF8, s25;
	[sflag:s22] =	ssyncadd.s32 $0xFFFFE000  }
0x7b: {  	[hbm4b:s5+s23] =	stream.strided.scatter [tilespmem:s24], [sflag:$0x2], $0x2000, s19, s23, $0x38;
	[tilespmem:$0xC100] =	vst v63  }
0x7c: {  	s1 =	sadd.s32 $0x8000, s1;
	s25 =	sadd.s32 $0x1000, s25  }
0x7d: {  	[hbm4b:s16+s23] =	stream.strided.scatter [tilespmem:s26], [sflag:$0x2], $0x2000, s19, s23, $0x38;
	[tilespmem:$0xC100] =	vst v63  }
0x7e: {  	_ =	swait.ge [sflag:s28], $0x2000  }
0x7f: {  	[sflag:s28] =	ssyncset.done $0x0  }
0x80: {  	[sflag:s28] =	ssyncadd.s32 $0xFFFFE000  }
0x81: {  	_ =	swait.ge [sflag:s28], $0x2000  }
0x82: {  	[sflag:s28] =	ssyncset.done $0x0  }
0x83: {  	s0 =	simm.s32 $0x2000;
	[sflag:s28] =	ssyncadd.s32 $0xFFFFE000  }
0x84: {  	[tilespmem:s20], [sflag:$0x1] =	stream.indirect.gather [hbm4b:s4+s19], $0x40, s0, s19, $0xb8;
	[tilespmem:$0xC100] =	vst v63  }
0x85: {  	s30 =	simm.s32 $0x4080  }
0x86: {  	[tilespmem:s21], [sflag:$0x1] =	stream.indirect.gather [hbm4b:s4+s19], $0x40, s30, s19, $0xb8;
	[tilespmem:$0xC100] =	vst v63  }
0x87: {  	_ =	swait.ge [sflag:s22], $0x2000  }
0x88: {  	[sflag:s22] =	ssyncset.done $0x0  }
0x89: {  	[sflag:s22] =	ssyncadd.s32 $0xFFFFE000  }
0x8a: {  	_ =	swait.ge [sflag:s22], $0x2000  }
0x8b: {  	[sflag:s22] =	ssyncset.done $0x0  }
0x8c: {  	[sflag:s22] =	ssyncadd.s32 $0xFFFFE000  }
0x8d: {  	[hbm4b:s12+s23] =	stream.strided.scatter [tilespmem:s20], [sflag:$0x2], $0x2000, s19, s23, $0x38;
	[tilespmem:$0xC100] =	vst v63  }
0x8e: {  	_ = 	snop  }
0x8f: {  	[hbm4b:s13+s23] =	stream.strided.scatter [tilespmem:s21], [sflag:$0x2], $0x2000, s19, s23, $0x38;
	[tilespmem:$0xC100] =	vst v63  }
0x90: {  	_ =	swait.ge [sflag:s28], $0x2000  }
0x91: {  	[sflag:s28] =	ssyncset.done $0x0  }
0x92: {  	[sflag:s28] =	ssyncadd.s32 $0xFFFFE000  }
0x93: {  	_ =	swait.ge [sflag:s28], $0x2000  }
0x94: {  	[sflag:s28] =	ssyncset.done $0x0  }
0x95: {  	s31 =	sadd.s32 $0x1, s31;
	[sflag:s28] =	ssyncadd.s32 $0xFFFFE000  }
0x96: {  	p0 =	sne.s32 s31, s14;
	_ =	swait.ge [sflag:s28], $0x2000  }
.Ltmp1:
0x97: {  	[sflag:s28] =	ssyncset.done $0x0;
	(pc) =	sbr.rel @p0 .LBB2_1-.Ltmp1, $4  }
0x98: {  	[sflag:s28] =	ssyncadd.s32 $0xFFFFE000  }
0x99: {  	_ =	swait.ge [sflag:s28], $0x2000  }
0x9a: {  	[sflag:s28] =	ssyncset.done $0x0  }
0x9b: {  	[sflag:s28] =	ssyncadd.s32 $0xFFFFE000  }
0x9c: {  	_ =	sfence.sel $0x180000  }
0x9d: {  	[bflag:$0x0] =	sbarrier.arrive $0xFFFF  }
0x9e: {  	_ =	strace $0x90000047  }
0x9f: {  	s0 =	stileid.u32;
	[bflag:$0x2] =	sbarrier.arrive $0xFFFF  }
0xa0: {  	p0 =	sne.s32 s0, $0x0;
	s0 =	rddreg [dreg:$0x2]  }
0xa1: {  	s0 =	sadd.s32 @!p0 $0x100000, s0  }
0xa2: {  	[sflag:s0] =	ssyncadd.tile.s32 @!p0 $0x1;
	_ =	shalt  }
.Lfunc_end2:
_tile_overlayer_lowered:
.L_overlay_start_2:
0xa3: {  	(tag) =	ssettag $0x2  }
0xa4: {  	s0 =	rddreg [dreg:$0x0];
	s2 =	stileid.u32  }
0xa5: {  	s1 =	rddreg [dreg:$0x1];
	p0 =	sne.s32 s2, $0x0  }
0xa6: {  	s3 =	rddreg [dreg:$0x2];
	[bflag:$0x3] =	sbarrier.arrive $0xFFFF;
	s2 =	simm.s32 @!p0 $0x1C03  }
0xa7: {  	[timem:s3], [sflag:s2] =	dma.local @!p0 [hbm:s0], s1  }
0xa8: {  	s0 =	simm.s32 @!p0 $0x3  }
0xa9: {  	_ =	swait.ge @!p0 [sflag:s0], s1  }
0xaa: {  	s1 =	ssub.s32 @!p0 $0x0, s1;
	[sflag:s0] =	ssyncset.done @!p0 $0x0  }
0xab: {  	[sflag:s0] =	ssyncadd.s32 @!p0 s1  }
0xac: {  	[bflag:$0x3] =	sbarrier.arrive $0xFFFF  }
0xad: {  	_ =	shalt  }

</sc_bundles>
